<compile_context>
chip_gen: v7x
topology: tpu7x:2x2x1
jax: 0.10.2.dev20260603
libtpu: 0.0.44.dev20260713+nightly
codegen_flags: <defaults>
</compile_context>

<pallas_src>
import functools

import jax
import jax.numpy as jnp
import numpy as np
from jax import lax
from jax.experimental import pallas as pl
from jax.experimental.pallas import tpu as pltpu
from jax.experimental.pallas import tpu_sc as plsc

B, N = 64, 4096
BEV = 200
PR, PC = 12, 16
HP, WP = BEV + 2 * PR, BEV + 2 * PC
SH, SW = HP + 1, 256

def _prefix_mat(n_out, n_in, pad):
    m = np.zeros((n_out, n_in), np.float32)
    src = np.clip(np.arange(n_out - 1) - pad, 0, n_in - 1)
    for k, j in enumerate(src):
        m[k + 1 :, j] += 1.0
    return m

M_R = _prefix_mat(SH, BEV, PR)
M_C = _prefix_mat(SW, BEV, PC).T.copy()


def _sat_body(mr_ref, mc_ref, inst_ref, driv_ref, s_inst_ref, s_head_ref,
              s_rule_ref):
    mr = mr_ref[...].astype(jnp.bfloat16)
    mc = mc_ref[...]
    gi = inst_ref[0]
    gd = driv_ref[0]
    g3 = jnp.concatenate(
        [gi, gi * gd, (gd == 0.0).astype(jnp.float32)], axis=1
    ).astype(jnp.bfloat16)
    t3 = jnp.dot(mr, g3, preferred_element_type=jnp.float32)
    tr = jnp.concatenate(
        [t3[:, :BEV], t3[:, BEV : 2 * BEV], t3[:, 2 * BEV :]], axis=0
    )
    tr_hi = tr.astype(jnp.bfloat16)
    tr_lo = (tr - tr_hi.astype(jnp.float32)).astype(jnp.bfloat16)
    mcb = mc.astype(jnp.bfloat16)
    s = (jnp.dot(tr_hi, mcb, preferred_element_type=jnp.float32)
         + jnp.dot(tr_lo, mcb, preferred_element_type=jnp.float32))
    s_inst_ref[0] = s[:SH]
    s_head_ref[0] = s[SH : 2 * SH]
    s_rule_ref[0] = s[2 * SH :]


def _build_sats(inst, driv):
    nb = inst.shape[0]
    grid = (nb,)
    full2 = pl.BlockSpec((SH, BEV), lambda b: (0, 0))
    full2c = pl.BlockSpec((BEV, SW), lambda b: (0, 0))
    per_b = pl.BlockSpec((1, BEV, BEV), lambda b: (b, 0, 0))
    out_b = pl.BlockSpec((1, SH, SW), lambda b: (b, 0, 0))
    out_shape = [jax.ShapeDtypeStruct((nb, SH, SW), jnp.float32)] * 3
    return pl.pallas_call(
        _sat_body,
        grid=grid,
        in_specs=[full2, full2c, per_b, per_b],
        out_specs=[out_b, out_b, out_b],
        out_shape=out_shape,
    )(jnp.asarray(M_R), jnp.asarray(M_C), inst, driv)


def _prep_body(x_ref, y_ref, base_ref, baseh_ref, cva_ref, ego_ref):
    x = x_ref[...]
    y = y_ref[...]
    fx = jnp.floor(x * 2.0).astype(jnp.int32)
    fy = jnp.floor(y * 2.0).astype(jnp.int32)
    rb = jnp.clip(fx, -106, 106) + PR
    base_ref[...] = rb * SW + (jnp.clip(fy, -109, 107) + PC)
    baseh_ref[...] = rb * SW + (jnp.clip(fy + 20, -109, 107) + PC)
    cvr = jnp.clip(((x + 49.75) * 2.0).astype(jnp.int32), 0, BEV - 1)
    cvc = jnp.clip(((y + 49.75) * 2.0).astype(jnp.int32), 0, BEV - 1)
    cva_ref[...] = cvr * SW + cvc
    ego_ref[...] = jnp.sqrt(x * x + y * y) * 2.0


def _prep_points(x, y):
    rows = 8
    nb = x.shape[0]
    grid = (nb // rows,)
    spec = pl.BlockSpec((rows, N), lambda i: (i, 0))
    shapes = ([jax.ShapeDtypeStruct((nb, N), jnp.int32)] * 3
              + [jax.ShapeDtypeStruct((nb, N), jnp.float32)])
    return pl.pallas_call(
        _prep_body,
        grid=grid,
        in_specs=[spec, spec],
        out_specs=[spec] * 4,
        out_shape=shapes,
    )(x, y)


def _rect16(tab, r0, c0, dr, dc):
    p00 = plsc.load_gather(tab, [r0, c0])
    p01 = plsc.load_gather(tab, [r0, c0 + dc])
    p10 = plsc.load_gather(tab, [r0 + dr, c0])
    p11 = plsc.load_gather(tab, [r0 + dr, c0 + dc])
    return (p11 - p01) - (p10 - p00)


def _clip100(v):
    return jnp.minimum(jnp.maximum(v, 0.0), 100.0)


def _sc_body(bpt, s_inst, s_head, s_rule, cv, base_h, baseh_h, cva_h, ego_h,
             out_h, tab, cvv, base_v, baseh_v, cva_v, ego_v, acc_v, sem_c):
    wid = lax.axis_index("s") * 2 + lax.axis_index("c")

    for bloc in range(bpt):
        b = wid * bpt + bloc
        cv_dma = pltpu.make_async_copy(cv.at[b], cvv, sem_c)
        cv_dma.start()
        pltpu.sync_copy(base_h.at[b], base_v)
        pltpu.sync_copy(baseh_h.at[b], baseh_v)
        pltpu.sync_copy(cva_h.at[b], cva_v)
        pltpu.sync_copy(ego_h.at[b], ego_v)

        pltpu.sync_copy(s_inst.at[b], tab)

        @pl.loop(0, N // 16)
        def _safety(i):
            o = pl.multiple_of(i * 16, 16)
            base = base_v[pl.ds(o, 16)]
            r = lax.shift_right_logical(base, 8)
            c = lax.bitwise_and(base, 255)
            eg = ego_v[pl.ds(o, 16)]
            s1 = _rect16(tab, r + 98, c + 97, 4, 8)
            s2 = _rect16(tab, r + 94, c + 93, 12, 16)
            acc_v[pl.ds(o, 16)] = _clip100((s1 + s2 * eg) * 0.1)

        pltpu.sync_copy(s_head.at[b], tab)

        @pl.loop(0, N // 16)
        def _headway(i):
            o = pl.multiple_of(i * 16, 16)
            bh = baseh_v[pl.ds(o, 16)]
            hw = _rect16(tab, lax.shift_right_logical(bh, 8) + 98,
                         lax.bitwise_and(bh, 255) + 97, 4, 8)
            acc_v[pl.ds(o, 16)] = acc_v[pl.ds(o, 16)] + _clip100(hw)

        pltpu.sync_copy(s_rule.at[b], tab)
        cv_dma.wait()

        @pl.loop(0, N // 16)
        def _rule_cv(i):
            o = pl.multiple_of(i * 16, 16)
            base = base_v[pl.ds(o, 16)]
            ru = _rect16(tab, lax.shift_right_logical(base, 8) + 98,
                         lax.bitwise_and(base, 255) + 97, 4, 8) * 5.0
            ca = cva_v[pl.ds(o, 16)]
            cvx = plsc.load_gather(cvv, [lax.shift_right_logical(ca, 8),
                                         lax.bitwise_and(ca, 255)])
            acc_v[pl.ds(o, 16)] = (acc_v[pl.ds(o, 16)] + _clip100(ru)
                                   + _clip100(cvx * 100.0))

        pltpu.sync_copy(acc_v, out_h.at[b])


def _sc_gather(s_inst, s_head, s_rule, cv, base, baseh, cva, ego):
    nb = s_inst.shape[0]
    mesh = plsc.VectorSubcoreMesh(core_axis_name="c", subcore_axis_name="s",
                                  num_cores=2, num_subcores=16)
    f = pl.kernel(
        functools.partial(_sc_body, nb // 32),
        out_type=jax.ShapeDtypeStruct((nb, N), jnp.float32),
        mesh=mesh,
        compiler_params=pltpu.CompilerParams(needs_layout_passes=False),
        scratch_types=[
            pltpu.VMEM((SH, SW), jnp.float32),
            pltpu.VMEM((BEV, BEV), jnp.float32),
            pltpu.VMEM((N,), jnp.int32),
            pltpu.VMEM((N,), jnp.int32),
            pltpu.VMEM((N,), jnp.int32),
            pltpu.VMEM((N,), jnp.float32),
            pltpu.VMEM((N,), jnp.float32),
            pltpu.SemaphoreType.DMA,
        ],
    )
    return f(s_inst, s_head, s_rule, cv, base, baseh, cva, ego)


def kernel(cost_volume, trajs, instance_occupancy, drivable_area):
    x = trajs[..., 0]
    y = trajs[..., 1]
    s_inst, s_head, s_rule = _build_sats(instance_occupancy, drivable_area)
    base, baseh, cva, ego = _prep_points(x, y)
    return _sc_gather(s_inst, s_head, s_rule, cost_volume,
                      base, baseh, cva, ego)

# --- scband reference (transcript-rebuilt; emitter-appended) ---
"""Pipeline reference for scband-cost-function-58652073394885 (READ-ONLY COPY).

The authoritative reference and input builder live on the scoring server;
editing this copy changes nothing except your own understanding.
"""

import jax, jax.numpy as jnp
import numpy as np

DX = np.array([0.5, 0.5], dtype=np.float32)
BX = np.array([-49.75, -49.75], dtype=np.float32)
BEV0, BEV1 = 200, 200
CAR_W, CAR_H = 1.85, 4.084

def _origin_points(lam):
    # replicate skimage.draw.polygon on an axis-aligned rectangle:
    # integer pixel centers strictly inside the rectangle
    pts = np.array([
        [-CAR_H / 2.0 + 0.5 - lam,  CAR_W / 2.0 + lam],
        [ CAR_H / 2.0 + 0.5 + lam,  CAR_W / 2.0 + lam],
        [ CAR_H / 2.0 + 0.5 + lam, -CAR_W / 2.0 - lam],
        [-CAR_H / 2.0 + 0.5 - lam, -CAR_W / 2.0 - lam]])
    pts = (pts - BX) / DX
    rmin, rmax = pts[:, 1].min(), pts[:, 1].max()
    cmin, cmax = pts[:, 0].min(), pts[:, 0].max()
    rr = np.arange(int(np.ceil(rmin)), int(np.floor(rmax)) + 1)
    cc = np.arange(int(np.ceil(cmin)), int(np.floor(cmax)) + 1)
    rg, cg = np.meshgrid(rr, cc, indexing='ij')
    rc = np.stack([rg.ravel(), cg.ravel()], axis=-1).astype(np.float32)
    return jnp.asarray(rc)

RC0 = _origin_points(0)  # lambda_=0 footprint
RC2 = _origin_points(2)  # lambda_=int(1.0/dx[0])=2 dilated footprint (SafetyCost)

def _get_points(trajs, rc):
    t = trajs[:, :, None, :] / jnp.asarray(DX) + rc
    rr = jnp.clip(t[..., 0].astype(jnp.int32), 0, BEV0 - 1)
    cc = jnp.clip(t[..., 1].astype(jnp.int32), 0, BEV1 - 1)
    return rr, cc

def _compute_area(occ, trajs, rc, ego_velocity=None):
    B, N, _ = trajs.shape
    rr, cc = _get_points(trajs, rc)
    if ego_velocity is None:
        ego_velocity = jnp.ones((B, N), dtype=trajs.dtype)
    bi = jnp.arange(B)[:, None, None]
    subcost = occ[bi, rr, cc].sum(axis=-1)
    return subcost * ego_velocity

def _discretize(trajs):
    xi = jnp.clip(((trajs[..., 0] - BX[0]) / DX[0]).astype(jnp.int32), 0, BEV0 - 1)
    yi = jnp.clip(((trajs[..., 1] - BX[1]) / DX[1]).astype(jnp.int32), 0, BEV1 - 1)
    return xi, yi

def setup_inputs(seed: int = 0) -> dict:
    key = jax.random.key(seed)
    k1, k2, k3, k4 = jax.random.split(key, 4)
    B, N = 64, 4096
    cost_volume = jax.random.normal(k1, (B, 200, 200), dtype=jnp.float32)
    trajs = jax.random.normal(k2, (B, N, 2), dtype=jnp.float32)
    instance_occupancy = jax.random.uniform(k3, (B, 200, 200), dtype=jnp.float32)
    drivable_area = jax.random.uniform(k4, (B, 200, 200), dtype=jnp.float32)
    return {"cost_volume": cost_volume, "trajs": trajs,
            "instance_occupancy": instance_occupancy, "drivable_area": drivable_area}

def reference(cost_volume, trajs, instance_occupancy, drivable_area):
    B, N, _ = trajs.shape
    bi = jnp.arange(B)
    # SafetyCost (factor 0.1, w=[1,1])
    ego_velocity = jnp.sqrt((trajs ** 2).sum(axis=-1)) / 0.5
    s1 = _compute_area(instance_occupancy, trajs, RC0)
    s2 = _compute_area(instance_occupancy, trajs, RC2, ego_velocity)
    safetycost = (s1 * 1.0 + s2 * 1.0) * 0.1
    # HeadwayCost (L=10, factor 1.0)
    occ_drive = instance_occupancy * drivable_area
    trajs_head = trajs + jnp.array([0.0, 10.0], dtype=trajs.dtype)
    headwaycost = _compute_area(occ_drive, trajs_head, RC0) * 1.0
    # Rule (factor 5)
    dangerous = jnp.logical_not(drivable_area != 0).astype(jnp.float32)
    rulecost = _compute_area(dangerous, trajs, RC0) * 5.0
    # Cost_Volume (factor 100)
    cv = jnp.clip(cost_volume, 0, 1000)
    Syi, Sxi = _discretize(trajs)
    costvolume = cv[bi[:, None], Syi, Sxi] * 100.0
    out = (jnp.clip(safetycost, 0, 100) + jnp.clip(headwaycost, 0, 100)
           + jnp.clip(costvolume, 0, 100) + jnp.clip(rulecost, 0, 100))
    return out

if __name__ == "__main__":
    import jax
    _d = setup_inputs()
    print(jax.jit(kernel)(*tuple(_d.values())))

</pallas_src>

<mosaic_0001>
#map = affine_map<(d0, d1) -> (0, 0, 0)>
#map1 = affine_map<(d0, d1) -> (0, 0)>
module attributes {stable_mosaic.version = 14 : i64} {
  func.func @_sc_body(%arg0: i32, %arg1: i32, %arg2: memref<64x225x256xf32, #tpu.memory_space<hbm>>, %arg3: memref<64x225x256xf32, #tpu.memory_space<hbm>>, %arg4: memref<64x225x256xf32, #tpu.memory_space<hbm>>, %arg5: memref<64x200x200xf32, #tpu.memory_space<hbm>>, %arg6: memref<64x4096xi32, #tpu.memory_space<hbm>>, %arg7: memref<64x4096xi32, #tpu.memory_space<hbm>>, %arg8: memref<64x4096xi32, #tpu.memory_space<hbm>>, %arg9: memref<64x4096xf32, #tpu.memory_space<hbm>>, %arg10: memref<64x4096xf32, #tpu.memory_space<hbm>>, %arg11: memref<225x256xf32, #tpu.memory_space<vmem>>, %arg12: memref<200x200xf32, #tpu.memory_space<vmem>>, %arg13: memref<4096xi32, #tpu.memory_space<vmem>>, %arg14: memref<4096xi32, #tpu.memory_space<vmem>>, %arg15: memref<4096xi32, #tpu.memory_space<vmem>>, %arg16: memref<4096xf32, #tpu.memory_space<vmem>>, %arg17: memref<4096xf32, #tpu.memory_space<vmem>>, %arg18: memref<!tpu.dma_semaphore, #tpu.memory_space<semaphore_mem>>) attributes {dimension_semantics = [#tpu.dimension_semantics<core_parallel>, #tpu.dimension_semantics<subcore_parallel>], iteration_bounds = array<i64: 2, 16>, scalar_prefetch = 0 : i64, scratch_operands = 8 : i64, tpu.core_type = #tpu.core_type<sc_vector_subcore>, window_params = [{transform_indices = #map}, {transform_indices = #map}, {transform_indices = #map}, {transform_indices = #map}, {transform_indices = #map1}, {transform_indices = #map1}, {transform_indices = #map1}, {transform_indices = #map1}, {transform_indices = #map1}]} {
    %mul3A = arith.constant 2 : i32
    %mul3A_0 = arith.muli %arg1, %mul3A : i32
    %add3A = arith.addi %mul3A_0, %arg0 : i32
    %mul3A_1 = arith.constant 2 : i32
    %mul3A_2 = arith.muli %add3A, %mul3A_1 : i32
    %add3A_3 = arith.constant 0 : i32
    %add3A_4 = arith.addi %mul3A_2, %add3A_3 : i32
    %dma_start3A = arith.constant 0 : i32
    %dma_start3A_5 = arith.constant 0 : i32
    %dma_start3A_6 = tpu.memref_slice %arg5[%add3A_4, %dma_start3A, %dma_start3A_5] : memref<64x200x200xf32, #tpu.memory_space<hbm>> -> memref<1x200x200xf32, #tpu.memory_space<hbm>>
    %dma_start3A_7 = tpu.memref_squeeze %dma_start3A_6 : memref<1x200x200xf32, #tpu.memory_space<hbm>> -> memref<200x200xf32, #tpu.memory_space<hbm>>
    %dma_start3A_8 = arith.constant 0 : i32
    %dma_start3A_9 = arith.constant 0 : i32
    %dma_start3A_10 = tpu.memref_slice %arg5[%add3A_4, %dma_start3A_8, %dma_start3A_9] : memref<64x200x200xf32, #tpu.memory_space<hbm>> -> memref<1x200x200xf32, #tpu.memory_space<hbm>>
    %dma_start3A_11 = tpu.memref_squeeze %dma_start3A_10 : memref<1x200x200xf32, #tpu.memory_space<hbm>> -> memref<200x200xf32, #tpu.memory_space<hbm>>
    tpu.enqueue_dma source(%dma_start3A_11 : memref<200x200xf32, #tpu.memory_space<hbm>>) target(%arg12 : memref<200x200xf32, #tpu.memory_space<vmem>>) target_semaphore(%arg18 : memref<!tpu.dma_semaphore, #tpu.memory_space<semaphore_mem>>)
    "tpu.region"() ({
      %run_scoped3A = tpu.sem_alloc : memref<!tpu.dma_semaphore, #tpu.memory_space<semaphore_mem>>
      %dma_start3A_68 = arith.constant 0 : i32
      %dma_start3A_69 = tpu.memref_slice %arg6[%add3A_4, %dma_start3A_68] : memref<64x4096xi32, #tpu.memory_space<hbm>> -> memref<1x4096xi32, #tpu.memory_space<hbm>>
      %dma_start3A_70 = tpu.memref_squeeze %dma_start3A_69 : memref<1x4096xi32, #tpu.memory_space<hbm>> -> memref<4096xi32, #tpu.memory_space<hbm>>
      %dma_start3A_71 = arith.constant 0 : i32
      %dma_start3A_72 = tpu.memref_slice %arg6[%add3A_4, %dma_start3A_71] : memref<64x4096xi32, #tpu.memory_space<hbm>> -> memref<1x4096xi32, #tpu.memory_space<hbm>>
      %dma_start3A_73 = tpu.memref_squeeze %dma_start3A_72 : memref<1x4096xi32, #tpu.memory_space<hbm>> -> memref<4096xi32, #tpu.memory_space<hbm>>
      tpu.enqueue_dma source(%dma_start3A_73 : memref<4096xi32, #tpu.memory_space<hbm>>) target(%arg13 : memref<4096xi32, #tpu.memory_space<vmem>>) target_semaphore(%run_scoped3A : memref<!tpu.dma_semaphore, #tpu.memory_space<semaphore_mem>>)
      %dma_wait3A_74 = arith.constant 0 : i32
      %dma_wait3A_75 = tpu.memref_slice %arg6[%add3A_4, %dma_wait3A_74] : memref<64x4096xi32, #tpu.memory_space<hbm>> -> memref<1x4096xi32, #tpu.memory_space<hbm>>
      %dma_wait3A_76 = tpu.memref_squeeze %dma_wait3A_75 : memref<1x4096xi32, #tpu.memory_space<hbm>> -> memref<4096xi32, #tpu.memory_space<hbm>>
      %dma_wait3A_77 = arith.constant 0 : i32
      %dma_wait3A_78 = tpu.memref_slice %arg6[%add3A_4, %dma_wait3A_77] : memref<64x4096xi32, #tpu.memory_space<hbm>> -> memref<1x4096xi32, #tpu.memory_space<hbm>>
      %dma_wait3A_79 = tpu.memref_squeeze %dma_wait3A_78 : memref<1x4096xi32, #tpu.memory_space<hbm>> -> memref<4096xi32, #tpu.memory_space<hbm>>
      tpu.wait_dma2 semaphore(%run_scoped3A : memref<!tpu.dma_semaphore, #tpu.memory_space<semaphore_mem>>) src(%dma_wait3A_79 : memref<4096xi32, #tpu.memory_space<hbm>>) dst(%arg13 : memref<4096xi32, #tpu.memory_space<vmem>>)
      tpu.yield
    }) : () -> ()
    "tpu.region"() ({
      %run_scoped3A = tpu.sem_alloc : memref<!tpu.dma_semaphore, #tpu.memory_space<semaphore_mem>>
      %dma_start3A_68 = arith.constant 0 : i32
      %dma_start3A_69 = tpu.memref_slice %arg7[%add3A_4, %dma_start3A_68] : memref<64x4096xi32, #tpu.memory_space<hbm>> -> memref<1x4096xi32, #tpu.memory_space<hbm>>
      %dma_start3A_70 = tpu.memref_squeeze %dma_start3A_69 : memref<1x4096xi32, #tpu.memory_space<hbm>> -> memref<4096xi32, #tpu.memory_space<hbm>>
      %dma_start3A_71 = arith.constant 0 : i32
      %dma_start3A_72 = tpu.memref_slice %arg7[%add3A_4, %dma_start3A_71] : memref<64x4096xi32, #tpu.memory_space<hbm>> -> memref<1x4096xi32, #tpu.memory_space<hbm>>
      %dma_start3A_73 = tpu.memref_squeeze %dma_start3A_72 : memref<1x4096xi32, #tpu.memory_space<hbm>> -> memref<4096xi32, #tpu.memory_space<hbm>>
      tpu.enqueue_dma source(%dma_start3A_73 : memref<4096xi32, #tpu.memory_space<hbm>>) target(%arg14 : memref<4096xi32, #tpu.memory_space<vmem>>) target_semaphore(%run_scoped3A : memref<!tpu.dma_semaphore, #tpu.memory_space<semaphore_mem>>)
      %dma_wait3A_74 = arith.constant 0 : i32
      %dma_wait3A_75 = tpu.memref_slice %arg7[%add3A_4, %dma_wait3A_74] : memref<64x4096xi32, #tpu.memory_space<hbm>> -> memref<1x4096xi32, #tpu.memory_space<hbm>>
      %dma_wait3A_76 = tpu.memref_squeeze %dma_wait3A_75 : memref<1x4096xi32, #tpu.memory_space<hbm>> -> memref<4096xi32, #tpu.memory_space<hbm>>
      %dma_wait3A_77 = arith.constant 0 : i32
      %dma_wait3A_78 = tpu.memref_slice %arg7[%add3A_4, %dma_wait3A_77] : memref<64x4096xi32, #tpu.memory_space<hbm>> -> memref<1x4096xi32, #tpu.memory_space<hbm>>
      %dma_wait3A_79 = tpu.memref_squeeze %dma_wait3A_78 : memref<1x4096xi32, #tpu.memory_space<hbm>> -> memref<4096xi32, #tpu.memory_space<hbm>>
      tpu.wait_dma2 semaphore(%run_scoped3A : memref<!tpu.dma_semaphore, #tpu.memory_space<semaphore_mem>>) src(%dma_wait3A_79 : memref<4096xi32, #tpu.memory_space<hbm>>) dst(%arg14 : memref<4096xi32, #tpu.memory_space<vmem>>)
      tpu.yield
    }) : () -> ()
    "tpu.region"() ({
      %run_scoped3A = tpu.sem_alloc : memref<!tpu.dma_semaphore, #tpu.memory_space<semaphore_mem>>
      %dma_start3A_68 = arith.constant 0 : i32
      %dma_start3A_69 = tpu.memref_slice %arg8[%add3A_4, %dma_start3A_68] : memref<64x4096xi32, #tpu.memory_space<hbm>> -> memref<1x4096xi32, #tpu.memory_space<hbm>>
      %dma_start3A_70 = tpu.memref_squeeze %dma_start3A_69 : memref<1x4096xi32, #tpu.memory_space<hbm>> -> memref<4096xi32, #tpu.memory_space<hbm>>
      %dma_start3A_71 = arith.constant 0 : i32
      %dma_start3A_72 = tpu.memref_slice %arg8[%add3A_4, %dma_start3A_71] : memref<64x4096xi32, #tpu.memory_space<hbm>> -> memref<1x4096xi32, #tpu.memory_space<hbm>>
      %dma_start3A_73 = tpu.memref_squeeze %dma_start3A_72 : memref<1x4096xi32, #tpu.memory_space<hbm>> -> memref<4096xi32, #tpu.memory_space<hbm>>
      tpu.enqueue_dma source(%dma_start3A_73 : memref<4096xi32, #tpu.memory_space<hbm>>) target(%arg15 : memref<4096xi32, #tpu.memory_space<vmem>>) target_semaphore(%run_scoped3A : memref<!tpu.dma_semaphore, #tpu.memory_space<semaphore_mem>>)
      %dma_wait3A_74 = arith.constant 0 : i32
      %dma_wait3A_75 = tpu.memref_slice %arg8[%add3A_4, %dma_wait3A_74] : memref<64x4096xi32, #tpu.memory_space<hbm>> -> memref<1x4096xi32, #tpu.memory_space<hbm>>
      %dma_wait3A_76 = tpu.memref_squeeze %dma_wait3A_75 : memref<1x4096xi32, #tpu.memory_space<hbm>> -> memref<4096xi32, #tpu.memory_space<hbm>>
      %dma_wait3A_77 = arith.constant 0 : i32
      %dma_wait3A_78 = tpu.memref_slice %arg8[%add3A_4, %dma_wait3A_77] : memref<64x4096xi32, #tpu.memory_space<hbm>> -> memref<1x4096xi32, #tpu.memory_space<hbm>>
      %dma_wait3A_79 = tpu.memref_squeeze %dma_wait3A_78 : memref<1x4096xi32, #tpu.memory_space<hbm>> -> memref<4096xi32, #tpu.memory_space<hbm>>
      tpu.wait_dma2 semaphore(%run_scoped3A : memref<!tpu.dma_semaphore, #tpu.memory_space<semaphore_mem>>) src(%dma_wait3A_79 : memref<4096xi32, #tpu.memory_space<hbm>>) dst(%arg15 : memref<4096xi32, #tpu.memory_space<vmem>>)
      tpu.yield
    }) : () -> ()
    "tpu.region"() ({
      %run_scoped3A = tpu.sem_alloc : memref<!tpu.dma_semaphore, #tpu.memory_space<semaphore_mem>>
      %dma_start3A_68 = arith.constant 0 : i32
      %dma_start3A_69 = tpu.memref_slice %arg9[%add3A_4, %dma_start3A_68] : memref<64x4096xf32, #tpu.memory_space<hbm>> -> memref<1x4096xf32, #tpu.memory_space<hbm>>
      %dma_start3A_70 = tpu.memref_squeeze %dma_start3A_69 : memref<1x4096xf32, #tpu.memory_space<hbm>> -> memref<4096xf32, #tpu.memory_space<hbm>>
      %dma_start3A_71 = arith.constant 0 : i32
      %dma_start3A_72 = tpu.memref_slice %arg9[%add3A_4, %dma_start3A_71] : memref<64x4096xf32, #tpu.memory_space<hbm>> -> memref<1x4096xf32, #tpu.memory_space<hbm>>
      %dma_start3A_73 = tpu.memref_squeeze %dma_start3A_72 : memref<1x4096xf32, #tpu.memory_space<hbm>> -> memref<4096xf32, #tpu.memory_space<hbm>>
      tpu.enqueue_dma source(%dma_start3A_73 : memref<4096xf32, #tpu.memory_space<hbm>>) target(%arg16 : memref<4096xf32, #tpu.memory_space<vmem>>) target_semaphore(%run_scoped3A : memref<!tpu.dma_semaphore, #tpu.memory_space<semaphore_mem>>)
      %dma_wait3A_74 = arith.constant 0 : i32
      %dma_wait3A_75 = tpu.memref_slice %arg9[%add3A_4, %dma_wait3A_74] : memref<64x4096xf32, #tpu.memory_space<hbm>> -> memref<1x4096xf32, #tpu.memory_space<hbm>>
      %dma_wait3A_76 = tpu.memref_squeeze %dma_wait3A_75 : memref<1x4096xf32, #tpu.memory_space<hbm>> -> memref<4096xf32, #tpu.memory_space<hbm>>
      %dma_wait3A_77 = arith.constant 0 : i32
      %dma_wait3A_78 = tpu.memref_slice %arg9[%add3A_4, %dma_wait3A_77] : memref<64x4096xf32, #tpu.memory_space<hbm>> -> memref<1x4096xf32, #tpu.memory_space<hbm>>
      %dma_wait3A_79 = tpu.memref_squeeze %dma_wait3A_78 : memref<1x4096xf32, #tpu.memory_space<hbm>> -> memref<4096xf32, #tpu.memory_space<hbm>>
      tpu.wait_dma2 semaphore(%run_scoped3A : memref<!tpu.dma_semaphore, #tpu.memory_space<semaphore_mem>>) src(%dma_wait3A_79 : memref<4096xf32, #tpu.memory_space<hbm>>) dst(%arg16 : memref<4096xf32, #tpu.memory_space<vmem>>)
      tpu.yield
    }) : () -> ()
    "tpu.region"() ({
      %run_scoped3A = tpu.sem_alloc : memref<!tpu.dma_semaphore, #tpu.memory_space<semaphore_mem>>
      %dma_start3A_68 = arith.constant 0 : i32
      %dma_start3A_69 = arith.constant 0 : i32
      %dma_start3A_70 = tpu.memref_slice %arg2[%add3A_4, %dma_start3A_68, %dma_start3A_69] : memref<64x225x256xf32, #tpu.memory_space<hbm>> -> memref<1x225x256xf32, #tpu.memory_space<hbm>>
      %dma_start3A_71 = tpu.memref_squeeze %dma_start3A_70 : memref<1x225x256xf32, #tpu.memory_space<hbm>> -> memref<225x256xf32, #tpu.memory_space<hbm>>
      %dma_start3A_72 = arith.constant 0 : i32
      %dma_start3A_73 = arith.constant 0 : i32
      %dma_start3A_74 = tpu.memref_slice %arg2[%add3A_4, %dma_start3A_72, %dma_start3A_73] : memref<64x225x256xf32, #tpu.memory_space<hbm>> -> memref<1x225x256xf32, #tpu.memory_space<hbm>>
      %dma_start3A_75 = tpu.memref_squeeze %dma_start3A_74 : memref<1x225x256xf32, #tpu.memory_space<hbm>> -> memref<225x256xf32, #tpu.memory_space<hbm>>
      tpu.enqueue_dma source(%dma_start3A_75 : memref<225x256xf32, #tpu.memory_space<hbm>>) target(%arg11 : memref<225x256xf32, #tpu.memory_space<vmem>>) target_semaphore(%run_scoped3A : memref<!tpu.dma_semaphore, #tpu.memory_space<semaphore_mem>>)
      %dma_wait3A_76 = arith.constant 0 : i32
      %dma_wait3A_77 = arith.constant 0 : i32
      %dma_wait3A_78 = tpu.memref_slice %arg2[%add3A_4, %dma_wait3A_76, %dma_wait3A_77] : memref<64x225x256xf32, #tpu.memory_space<hbm>> -> memref<1x225x256xf32, #tpu.memory_space<hbm>>
      %dma_wait3A_79 = tpu.memref_squeeze %dma_wait3A_78 : memref<1x225x256xf32, #tpu.memory_space<hbm>> -> memref<225x256xf32, #tpu.memory_space<hbm>>
      %dma_wait3A_80 = arith.constant 0 : i32
      %dma_wait3A_81 = arith.constant 0 : i32
      %dma_wait3A_82 = tpu.memref_slice %arg2[%add3A_4, %dma_wait3A_80, %dma_wait3A_81] : memref<64x225x256xf32, #tpu.memory_space<hbm>> -> memref<1x225x256xf32, #tpu.memory_space<hbm>>
      %dma_wait3A_83 = tpu.memref_squeeze %dma_wait3A_82 : memref<1x225x256xf32, #tpu.memory_space<hbm>> -> memref<225x256xf32, #tpu.memory_space<hbm>>
      tpu.wait_dma2 semaphore(%run_scoped3A : memref<!tpu.dma_semaphore, #tpu.memory_space<semaphore_mem>>) src(%dma_wait3A_83 : memref<225x256xf32, #tpu.memory_space<hbm>>) dst(%arg11 : memref<225x256xf32, #tpu.memory_space<vmem>>)
      tpu.yield
    }) : () -> ()
    %scan3A = arith.constant 0 : i32
    %scan3A_12 = arith.constant 256 : i32
    %scan3A_13 = arith.addi %scan3A, %scan3A_12 : i32
    %scan3A_14 = arith.constant 1 : i32
    scf.for %scan3A_68 = %scan3A to %scan3A_13 step %scan3A_14  : i32 {
      %mul3A_69 = arith.constant 1 : i32
      %mul3A_70 = arith.muli %scan3A_68, %mul3A_69 : i32
      %add3A_71 = arith.constant 0 : i32
      %add3A_72 = arith.addi %add3A_71, %mul3A_70 : i32
      %mul3A_73 = arith.constant 16 : i32
      %mul3A_74 = arith.muli %add3A_72, %mul3A_73 : i32
      %multiple_of3A = tpu.assume_multiple %mul3A_74, 16 : i32
      %get3A = arith.index_cast %multiple_of3A : i32 to index
      %get3A_75 = tpu.vector_load %arg13[%get3A] {strides = array<i32>} : memref<4096xi32, #tpu.memory_space<vmem>>, vector<16xi32>,
      %shift_right_logical3A = arith.constant 8 : i32
      %shift_right_logical3A_76 = vector.broadcast %shift_right_logical3A : i32 to vector<16xi32>
      %shift_right_logical3A_77 = arith.shrui %get3A_75, %shift_right_logical3A_76 : vector<16xi32>
      %and3A = arith.constant 255 : i32
      %and3A_78 = vector.broadcast %and3A : i32 to vector<16xi32>
      %and3A_79 = arith.andi %get3A_75, %and3A_78 : vector<16xi32>
      %get3A_80 = arith.index_cast %multiple_of3A : i32 to index
      %get3A_81 = tpu.vector_load %arg16[%get3A_80] {strides = array<i32>} : memref<4096xf32, #tpu.memory_space<vmem>>, vector<16xf32>,
      %add3A_82 = arith.constant 98 : i32
      %add3A_83 = vector.broadcast %add3A_82 : i32 to vector<16xi32>
      %add3A_84 = arith.addi %shift_right_logical3A_77, %add3A_83 : vector<16xi32>
      %add3A_85 = arith.constant 97 : i32
      %add3A_86 = vector.broadcast %add3A_85 : i32 to vector<16xi32>
      %add3A_87 = arith.addi %and3A_79, %add3A_86 : vector<16xi32>
      %gather3A = tpu.vector_load_idx %arg11[%add3A_84, %add3A_87] : memref<225x256xf32, #tpu.memory_space<vmem>>[vector<16xi32>, vector<16xi32>], vector<16xf32>,
      %add3A_88 = arith.constant 8 : i32
      %add3A_89 = vector.broadcast %add3A_88 : i32 to vector<16xi32>
      %add3A_90 = arith.addi %add3A_87, %add3A_89 : vector<16xi32>
      %gather3A_91 = tpu.vector_load_idx %arg11[%add3A_84, %add3A_90] : memref<225x256xf32, #tpu.memory_space<vmem>>[vector<16xi32>, vector<16xi32>], vector<16xf32>,
      %add3A_92 = arith.constant 4 : i32
      %add3A_93 = vector.broadcast %add3A_92 : i32 to vector<16xi32>
      %add3A_94 = arith.addi %add3A_84, %add3A_93 : vector<16xi32>
      %gather3A_95 = tpu.vector_load_idx %arg11[%add3A_94, %add3A_87] : memref<225x256xf32, #tpu.memory_space<vmem>>[vector<16xi32>, vector<16xi32>], vector<16xf32>,
      %add3A_96 = arith.constant 4 : i32
      %add3A_97 = vector.broadcast %add3A_96 : i32 to vector<16xi32>
      %add3A_98 = arith.addi %add3A_84, %add3A_97 : vector<16xi32>
      %add3A_99 = arith.constant 8 : i32
      %add3A_100 = vector.broadcast %add3A_99 : i32 to vector<16xi32>
      %add3A_101 = arith.addi %add3A_87, %add3A_100 : vector<16xi32>
      %gather3A_102 = tpu.vector_load_idx %arg11[%add3A_98, %add3A_101] : memref<225x256xf32, #tpu.memory_space<vmem>>[vector<16xi32>, vector<16xi32>], vector<16xf32>,
      %sub3A = arith.subf %gather3A_102, %gather3A_91 : vector<16xf32>
      %sub3A_103 = arith.subf %gather3A_95, %gather3A : vector<16xf32>
      %sub3A_104 = arith.subf %sub3A, %sub3A_103 : vector<16xf32>
      %add3A_105 = arith.constant 94 : i32
      %add3A_106 = vector.broadcast %add3A_105 : i32 to vector<16xi32>
      %add3A_107 = arith.addi %shift_right_logical3A_77, %add3A_106 : vector<16xi32>
      %add3A_108 = arith.constant 93 : i32
      %add3A_109 = vector.broadcast %add3A_108 : i32 to vector<16xi32>
      %add3A_110 = arith.addi %and3A_79, %add3A_109 : vector<16xi32>
      %gather3A_111 = tpu.vector_load_idx %arg11[%add3A_107, %add3A_110] : memref<225x256xf32, #tpu.memory_space<vmem>>[vector<16xi32>, vector<16xi32>], vector<16xf32>,
      %add3A_112 = arith.constant 16 : i32
      %add3A_113 = vector.broadcast %add3A_112 : i32 to vector<16xi32>
      %add3A_114 = arith.addi %add3A_110, %add3A_113 : vector<16xi32>
      %gather3A_115 = tpu.vector_load_idx %arg11[%add3A_107, %add3A_114] : memref<225x256xf32, #tpu.memory_space<vmem>>[vector<16xi32>, vector<16xi32>], vector<16xf32>,
      %add3A_116 = arith.constant 12 : i32
      %add3A_117 = vector.broadcast %add3A_116 : i32 to vector<16xi32>
      %add3A_118 = arith.addi %add3A_107, %add3A_117 : vector<16xi32>
      %gather3A_119 = tpu.vector_load_idx %arg11[%add3A_118, %add3A_110] : memref<225x256xf32, #tpu.memory_space<vmem>>[vector<16xi32>, vector<16xi32>], vector<16xf32>,
      %add3A_120 = arith.constant 12 : i32
      %add3A_121 = vector.broadcast %add3A_120 : i32 to vector<16xi32>
      %add3A_122 = arith.addi %add3A_107, %add3A_121 : vector<16xi32>
      %add3A_123 = arith.constant 16 : i32
      %add3A_124 = vector.broadcast %add3A_123 : i32 to vector<16xi32>
      %add3A_125 = arith.addi %add3A_110, %add3A_124 : vector<16xi32>
      %gather3A_126 = tpu.vector_load_idx %arg11[%add3A_122, %add3A_125] : memref<225x256xf32, #tpu.memory_space<vmem>>[vector<16xi32>, vector<16xi32>], vector<16xf32>,
      %sub3A_127 = arith.subf %gather3A_126, %gather3A_115 : vector<16xf32>
      %sub3A_128 = arith.subf %gather3A_119, %gather3A_111 : vector<16xf32>
      %sub3A_129 = arith.subf %sub3A_127, %sub3A_128 : vector<16xf32>
      %mul3A_130 = arith.mulf %sub3A_129, %get3A_81 : vector<16xf32>
      %add3A_131 = arith.addf %sub3A_104, %mul3A_130 : vector<16xf32>
      %mul3A_132 = arith.constant 1.000000e-01 : f32
      %mul3A_133 = vector.broadcast %mul3A_132 : f32 to vector<16xf32>
      %mul3A_134 = arith.mulf %add3A_131, %mul3A_133 : vector<16xf32>
      %max3A = arith.constant 0.000000e+00 : f32
      %max3A_135 = vector.broadcast %max3A : f32 to vector<16xf32>
      %max3A_136 = arith.maximumf %mul3A_134, %max3A_135 : vector<16xf32>
      %min3A = arith.constant 1.000000e+02 : f32
      %min3A_137 = vector.broadcast %min3A : f32 to vector<16xf32>
      %min3A_138 = arith.minimumf %max3A_136, %min3A_137 : vector<16xf32>
      %swap3A = arith.index_cast %multiple_of3A : i32 to index
      %swap3A_139 = tpu.vector_load %arg17[%swap3A] {strides = array<i32>} : memref<4096xf32, #tpu.memory_space<vmem>>, vector<16xf32>,
      tpu.vector_store %arg17[%swap3A], %min3A_138 {strides = array<i32>} : memref<4096xf32, #tpu.memory_space<vmem>>, vector<16xf32>,
    }
    %scan3A_15 = arith.constant 256 : i32
    "tpu.region"() ({
      %run_scoped3A = tpu.sem_alloc : memref<!tpu.dma_semaphore, #tpu.memory_space<semaphore_mem>>
      %dma_start3A_68 = arith.constant 0 : i32
      %dma_start3A_69 = arith.constant 0 : i32
      %dma_start3A_70 = tpu.memref_slice %arg3[%add3A_4, %dma_start3A_68, %dma_start3A_69] : memref<64x225x256xf32, #tpu.memory_space<hbm>> -> memref<1x225x256xf32, #tpu.memory_space<hbm>>
      %dma_start3A_71 = tpu.memref_squeeze %dma_start3A_70 : memref<1x225x256xf32, #tpu.memory_space<hbm>> -> memref<225x256xf32, #tpu.memory_space<hbm>>
      %dma_start3A_72 = arith.constant 0 : i32
      %dma_start3A_73 = arith.constant 0 : i32
      %dma_start3A_74 = tpu.memref_slice %arg3[%add3A_4, %dma_start3A_72, %dma_start3A_73] : memref<64x225x256xf32, #tpu.memory_space<hbm>> -> memref<1x225x256xf32, #tpu.memory_space<hbm>>
      %dma_start3A_75 = tpu.memref_squeeze %dma_start3A_74 : memref<1x225x256xf32, #tpu.memory_space<hbm>> -> memref<225x256xf32, #tpu.memory_space<hbm>>
      tpu.enqueue_dma source(%dma_start3A_75 : memref<225x256xf32, #tpu.memory_space<hbm>>) target(%arg11 : memref<225x256xf32, #tpu.memory_space<vmem>>) target_semaphore(%run_scoped3A : memref<!tpu.dma_semaphore, #tpu.memory_space<semaphore_mem>>)
      %dma_wait3A_76 = arith.constant 0 : i32
      %dma_wait3A_77 = arith.constant 0 : i32
      %dma_wait3A_78 = tpu.memref_slice %arg3[%add3A_4, %dma_wait3A_76, %dma_wait3A_77] : memref<64x225x256xf32, #tpu.memory_space<hbm>> -> memref<1x225x256xf32, #tpu.memory_space<hbm>>
      %dma_wait3A_79 = tpu.memref_squeeze %dma_wait3A_78 : memref<1x225x256xf32, #tpu.memory_space<hbm>> -> memref<225x256xf32, #tpu.memory_space<hbm>>
      %dma_wait3A_80 = arith.constant 0 : i32
      %dma_wait3A_81 = arith.constant 0 : i32
      %dma_wait3A_82 = tpu.memref_slice %arg3[%add3A_4, %dma_wait3A_80, %dma_wait3A_81] : memref<64x225x256xf32, #tpu.memory_space<hbm>> -> memref<1x225x256xf32, #tpu.memory_space<hbm>>
      %dma_wait3A_83 = tpu.memref_squeeze %dma_wait3A_82 : memref<1x225x256xf32, #tpu.memory_space<hbm>> -> memref<225x256xf32, #tpu.memory_space<hbm>>
      tpu.wait_dma2 semaphore(%run_scoped3A : memref<!tpu.dma_semaphore, #tpu.memory_space<semaphore_mem>>) src(%dma_wait3A_83 : memref<225x256xf32, #tpu.memory_space<hbm>>) dst(%arg11 : memref<225x256xf32, #tpu.memory_space<vmem>>)
      tpu.yield
    }) : () -> ()
    %scan3A_16 = arith.constant 0 : i32
    %scan3A_17 = arith.constant 256 : i32
    %scan3A_18 = arith.addi %scan3A_16, %scan3A_17 : i32
    %scan3A_19 = arith.constant 1 : i32
    scf.for %scan3A_68 = %scan3A_16 to %scan3A_18 step %scan3A_19  : i32 {
      %mul3A_69 = arith.constant 1 : i32
      %mul3A_70 = arith.muli %scan3A_68, %mul3A_69 : i32
      %add3A_71 = arith.constant 0 : i32
      %add3A_72 = arith.addi %add3A_71, %mul3A_70 : i32
      %mul3A_73 = arith.constant 16 : i32
      %mul3A_74 = arith.muli %add3A_72, %mul3A_73 : i32
      %multiple_of3A = tpu.assume_multiple %mul3A_74, 16 : i32
      %get3A = arith.index_cast %multiple_of3A : i32 to index
      %get3A_75 = tpu.vector_load %arg14[%get3A] {strides = array<i32>} : memref<4096xi32, #tpu.memory_space<vmem>>, vector<16xi32>,
      %shift_right_logical3A = arith.constant 8 : i32
      %shift_right_logical3A_76 = vector.broadcast %shift_right_logical3A : i32 to vector<16xi32>
      %shift_right_logical3A_77 = arith.shrui %get3A_75, %shift_right_logical3A_76 : vector<16xi32>
      %add3A_78 = arith.constant 98 : i32
      %add3A_79 = vector.broadcast %add3A_78 : i32 to vector<16xi32>
      %add3A_80 = arith.addi %shift_right_logical3A_77, %add3A_79 : vector<16xi32>
      %and3A = arith.constant 255 : i32
      %and3A_81 = vector.broadcast %and3A : i32 to vector<16xi32>
      %and3A_82 = arith.andi %get3A_75, %and3A_81 : vector<16xi32>
      %add3A_83 = arith.constant 97 : i32
      %add3A_84 = vector.broadcast %add3A_83 : i32 to vector<16xi32>
      %add3A_85 = arith.addi %and3A_82, %add3A_84 : vector<16xi32>
      %gather3A = tpu.vector_load_idx %arg11[%add3A_80, %add3A_85] : memref<225x256xf32, #tpu.memory_space<vmem>>[vector<16xi32>, vector<16xi32>], vector<16xf32>,
      %add3A_86 = arith.constant 8 : i32
      %add3A_87 = vector.broadcast %add3A_86 : i32 to vector<16xi32>
      %add3A_88 = arith.addi %add3A_85, %add3A_87 : vector<16xi32>
      %gather3A_89 = tpu.vector_load_idx %arg11[%add3A_80, %add3A_88] : memref<225x256xf32, #tpu.memory_space<vmem>>[vector<16xi32>, vector<16xi32>], vector<16xf32>,
      %add3A_90 = arith.constant 4 : i32
      %add3A_91 = vector.broadcast %add3A_90 : i32 to vector<16xi32>
      %add3A_92 = arith.addi %add3A_80, %add3A_91 : vector<16xi32>
      %gather3A_93 = tpu.vector_load_idx %arg11[%add3A_92, %add3A_85] : memref<225x256xf32, #tpu.memory_space<vmem>>[vector<16xi32>, vector<16xi32>], vector<16xf32>,
      %add3A_94 = arith.constant 4 : i32
      %add3A_95 = vector.broadcast %add3A_94 : i32 to vector<16xi32>
      %add3A_96 = arith.addi %add3A_80, %add3A_95 : vector<16xi32>
      %add3A_97 = arith.constant 8 : i32
      %add3A_98 = vector.broadcast %add3A_97 : i32 to vector<16xi32>
      %add3A_99 = arith.addi %add3A_85, %add3A_98 : vector<16xi32>
      %gather3A_100 = tpu.vector_load_idx %arg11[%add3A_96, %add3A_99] : memref<225x256xf32, #tpu.memory_space<vmem>>[vector<16xi32>, vector<16xi32>], vector<16xf32>,
      %sub3A = arith.subf %gather3A_100, %gather3A_89 : vector<16xf32>
      %sub3A_101 = arith.subf %gather3A_93, %gather3A : vector<16xf32>
      %sub3A_102 = arith.subf %sub3A, %sub3A_101 : vector<16xf32>
      %get3A_103 = arith.index_cast %multiple_of3A : i32 to index
      %get3A_104 = tpu.vector_load %arg17[%get3A_103] {strides = array<i32>} : memref<4096xf32, #tpu.memory_space<vmem>>, vector<16xf32>,
      %max3A = arith.constant 0.000000e+00 : f32
      %max3A_105 = vector.broadcast %max3A : f32 to vector<16xf32>
      %max3A_106 = arith.maximumf %sub3A_102, %max3A_105 : vector<16xf32>
      %min3A = arith.constant 1.000000e+02 : f32
      %min3A_107 = vector.broadcast %min3A : f32 to vector<16xf32>
      %min3A_108 = arith.minimumf %max3A_106, %min3A_107 : vector<16xf32>
      %add3A_109 = arith.addf %get3A_104, %min3A_108 : vector<16xf32>
      %swap3A = arith.index_cast %multiple_of3A : i32 to index
      %swap3A_110 = tpu.vector_load %arg17[%swap3A] {strides = array<i32>} : memref<4096xf32, #tpu.memory_space<vmem>>, vector<16xf32>,
      tpu.vector_store %arg17[%swap3A], %add3A_109 {strides = array<i32>} : memref<4096xf32, #tpu.memory_space<vmem>>, vector<16xf32>,
    }
    %scan3A_20 = arith.constant 256 : i32
    "tpu.region"() ({
      %run_scoped3A = tpu.sem_alloc : memref<!tpu.dma_semaphore, #tpu.memory_space<semaphore_mem>>
      %dma_start3A_68 = arith.constant 0 : i32
      %dma_start3A_69 = arith.constant 0 : i32
      %dma_start3A_70 = tpu.memref_slice %arg4[%add3A_4, %dma_start3A_68, %dma_start3A_69] : memref<64x225x256xf32, #tpu.memory_space<hbm>> -> memref<1x225x256xf32, #tpu.memory_space<hbm>>
      %dma_start3A_71 = tpu.memref_squeeze %dma_start3A_70 : memref<1x225x256xf32, #tpu.memory_space<hbm>> -> memref<225x256xf32, #tpu.memory_space<hbm>>
      %dma_start3A_72 = arith.constant 0 : i32
      %dma_start3A_73 = arith.constant 0 : i32
      %dma_start3A_74 = tpu.memref_slice %arg4[%add3A_4, %dma_start3A_72, %dma_start3A_73] : memref<64x225x256xf32, #tpu.memory_space<hbm>> -> memref<1x225x256xf32, #tpu.memory_space<hbm>>
      %dma_start3A_75 = tpu.memref_squeeze %dma_start3A_74 : memref<1x225x256xf32, #tpu.memory_space<hbm>> -> memref<225x256xf32, #tpu.memory_space<hbm>>
      tpu.enqueue_dma source(%dma_start3A_75 : memref<225x256xf32, #tpu.memory_space<hbm>>) target(%arg11 : memref<225x256xf32, #tpu.memory_space<vmem>>) target_semaphore(%run_scoped3A : memref<!tpu.dma_semaphore, #tpu.memory_space<semaphore_mem>>)
      %dma_wait3A_76 = arith.constant 0 : i32
      %dma_wait3A_77 = arith.constant 0 : i32
      %dma_wait3A_78 = tpu.memref_slice %arg4[%add3A_4, %dma_wait3A_76, %dma_wait3A_77] : memref<64x225x256xf32, #tpu.memory_space<hbm>> -> memref<1x225x256xf32, #tpu.memory_space<hbm>>
      %dma_wait3A_79 = tpu.memref_squeeze %dma_wait3A_78 : memref<1x225x256xf32, #tpu.memory_space<hbm>> -> memref<225x256xf32, #tpu.memory_space<hbm>>
      %dma_wait3A_80 = arith.constant 0 : i32
      %dma_wait3A_81 = arith.constant 0 : i32
      %dma_wait3A_82 = tpu.memref_slice %arg4[%add3A_4, %dma_wait3A_80, %dma_wait3A_81] : memref<64x225x256xf32, #tpu.memory_space<hbm>> -> memref<1x225x256xf32, #tpu.memory_space<hbm>>
      %dma_wait3A_83 = tpu.memref_squeeze %dma_wait3A_82 : memref<1x225x256xf32, #tpu.memory_space<hbm>> -> memref<225x256xf32, #tpu.memory_space<hbm>>
      tpu.wait_dma2 semaphore(%run_scoped3A : memref<!tpu.dma_semaphore, #tpu.memory_space<semaphore_mem>>) src(%dma_wait3A_83 : memref<225x256xf32, #tpu.memory_space<hbm>>) dst(%arg11 : memref<225x256xf32, #tpu.memory_space<vmem>>)
      tpu.yield
    }) : () -> ()
    %dma_wait3A = arith.constant 0 : i32
    %dma_wait3A_21 = arith.constant 0 : i32
    %dma_wait3A_22 = tpu.memref_slice %arg5[%add3A_4, %dma_wait3A, %dma_wait3A_21] : memref<64x200x200xf32, #tpu.memory_space<hbm>> -> memref<1x200x200xf32, #tpu.memory_space<hbm>>
    %dma_wait3A_23 = tpu.memref_squeeze %dma_wait3A_22 : memref<1x200x200xf32, #tpu.memory_space<hbm>> -> memref<200x200xf32, #tpu.memory_space<hbm>>
    %dma_wait3A_24 = arith.constant 0 : i32
    %dma_wait3A_25 = arith.constant 0 : i32
    %dma_wait3A_26 = tpu.memref_slice %arg5[%add3A_4, %dma_wait3A_24, %dma_wait3A_25] : memref<64x200x200xf32, #tpu.memory_space<hbm>> -> memref<1x200x200xf32, #tpu.memory_space<hbm>>
    %dma_wait3A_27 = tpu.memref_squeeze %dma_wait3A_26 : memref<1x200x200xf32, #tpu.memory_space<hbm>> -> memref<200x200xf32, #tpu.memory_space<hbm>>
    tpu.wait_dma2 semaphore(%arg18 : memref<!tpu.dma_semaphore, #tpu.memory_space<semaphore_mem>>) src(%dma_wait3A_27 : memref<200x200xf32, #tpu.memory_space<hbm>>) dst(%arg12 : memref<200x200xf32, #tpu.memory_space<vmem>>)
    %scan3A_28 = arith.constant 0 : i32
    %scan3A_29 = arith.constant 256 : i32
    %scan3A_30 = arith.addi %scan3A_28, %scan3A_29 : i32
    %scan3A_31 = arith.constant 1 : i32
    scf.for %scan3A_68 = %scan3A_28 to %scan3A_30 step %scan3A_31  : i32 {
      %mul3A_69 = arith.constant 1 : i32
      %mul3A_70 = arith.muli %scan3A_68, %mul3A_69 : i32
      %add3A_71 = arith.constant 0 : i32
      %add3A_72 = arith.addi %add3A_71, %mul3A_70 : i32
      %mul3A_73 = arith.constant 16 : i32
      %mul3A_74 = arith.muli %add3A_72, %mul3A_73 : i32
      %multiple_of3A = tpu.assume_multiple %mul3A_74, 16 : i32
      %get3A = arith.index_cast %multiple_of3A : i32 to index
      %get3A_75 = tpu.vector_load %arg13[%get3A] {strides = array<i32>} : memref<4096xi32, #tpu.memory_space<vmem>>, vector<16xi32>,
      %shift_right_logical3A = arith.constant 8 : i32
      %shift_right_logical3A_76 = vector.broadcast %shift_right_logical3A : i32 to vector<16xi32>
      %shift_right_logical3A_77 = arith.shrui %get3A_75, %shift_right_logical3A_76 : vector<16xi32>
      %add3A_78 = arith.constant 98 : i32
      %add3A_79 = vector.broadcast %add3A_78 : i32 to vector<16xi32>
      %add3A_80 = arith.addi %shift_right_logical3A_77, %add3A_79 : vector<16xi32>
      %and3A = arith.constant 255 : i32
      %and3A_81 = vector.broadcast %and3A : i32 to vector<16xi32>
      %and3A_82 = arith.andi %get3A_75, %and3A_81 : vector<16xi32>
      %add3A_83 = arith.constant 97 : i32
      %add3A_84 = vector.broadcast %add3A_83 : i32 to vector<16xi32>
      %add3A_85 = arith.addi %and3A_82, %add3A_84 : vector<16xi32>
      %gather3A = tpu.vector_load_idx %arg11[%add3A_80, %add3A_85] : memref<225x256xf32, #tpu.memory_space<vmem>>[vector<16xi32>, vector<16xi32>], vector<16xf32>,
      %add3A_86 = arith.constant 8 : i32
      %add3A_87 = vector.broadcast %add3A_86 : i32 to vector<16xi32>
      %add3A_88 = arith.addi %add3A_85, %add3A_87 : vector<16xi32>
      %gather3A_89 = tpu.vector_load_idx %arg11[%add3A_80, %add3A_88] : memref<225x256xf32, #tpu.memory_space<vmem>>[vector<16xi32>, vector<16xi32>], vector<16xf32>,
      %add3A_90 = arith.constant 4 : i32
      %add3A_91 = vector.broadcast %add3A_90 : i32 to vector<16xi32>
      %add3A_92 = arith.addi %add3A_80, %add3A_91 : vector<16xi32>
      %gather3A_93 = tpu.vector_load_idx %arg11[%add3A_92, %add3A_85] : memref<225x256xf32, #tpu.memory_space<vmem>>[vector<16xi32>, vector<16xi32>], vector<16xf32>,
      %add3A_94 = arith.constant 4 : i32
      %add3A_95 = vector.broadcast %add3A_94 : i32 to vector<16xi32>
      %add3A_96 = arith.addi %add3A_80, %add3A_95 : vector<16xi32>
      %add3A_97 = arith.constant 8 : i32
      %add3A_98 = vector.broadcast %add3A_97 : i32 to vector<16xi32>
      %add3A_99 = arith.addi %add3A_85, %add3A_98 : vector<16xi32>
      %gather3A_100 = tpu.vector_load_idx %arg11[%add3A_96, %add3A_99] : memref<225x256xf32, #tpu.memory_space<vmem>>[vector<16xi32>, vector<16xi32>], vector<16xf32>,
      %sub3A = arith.subf %gather3A_100, %gather3A_89 : vector<16xf32>
      %sub3A_101 = arith.subf %gather3A_93, %gather3A : vector<16xf32>
      %sub3A_102 = arith.subf %sub3A, %sub3A_101 : vector<16xf32>
      %mul3A_103 = arith.constant 5.000000e+00 : f32
      %mul3A_104 = vector.broadcast %mul3A_103 : f32 to vector<16xf32>
      %mul3A_105 = arith.mulf %sub3A_102, %mul3A_104 : vector<16xf32>
      %get3A_106 = arith.index_cast %multiple_of3A : i32 to index
      %get3A_107 = tpu.vector_load %arg15[%get3A_106] {strides = array<i32>} : memref<4096xi32, #tpu.memory_space<vmem>>, vector<16xi32>,
      %shift_right_logical3A_108 = arith.constant 8 : i32
      %shift_right_logical3A_109 = vector.broadcast %shift_right_logical3A_108 : i32 to vector<16xi32>
      %shift_right_logical3A_110 = arith.shrui %get3A_107, %shift_right_logical3A_109 : vector<16xi32>
      %and3A_111 = arith.constant 255 : i32
      %and3A_112 = vector.broadcast %and3A_111 : i32 to vector<16xi32>
      %and3A_113 = arith.andi %get3A_107, %and3A_112 : vector<16xi32>
      %gather3A_114 = tpu.vector_load_idx %arg12[%shift_right_logical3A_110, %and3A_113] : memref<200x200xf32, #tpu.memory_space<vmem>>[vector<16xi32>, vector<16xi32>], vector<16xf32>,
      %get3A_115 = arith.index_cast %multiple_of3A : i32 to index
      %get3A_116 = tpu.vector_load %arg17[%get3A_115] {strides = array<i32>} : memref<4096xf32, #tpu.memory_space<vmem>>, vector<16xf32>,
      %max3A = arith.constant 0.000000e+00 : f32
      %max3A_117 = vector.broadcast %max3A : f32 to vector<16xf32>
      %max3A_118 = arith.maximumf %mul3A_105, %max3A_117 : vector<16xf32>
      %min3A = arith.constant 1.000000e+02 : f32
      %min3A_119 = vector.broadcast %min3A : f32 to vector<16xf32>
      %min3A_120 = arith.minimumf %max3A_118, %min3A_119 : vector<16xf32>
      %add3A_121 = arith.addf %get3A_116, %min3A_120 : vector<16xf32>
      %mul3A_122 = arith.constant 1.000000e+02 : f32
      %mul3A_123 = vector.broadcast %mul3A_122 : f32 to vector<16xf32>
      %mul3A_124 = arith.mulf %gather3A_114, %mul3A_123 : vector<16xf32>
      %max3A_125 = arith.constant 0.000000e+00 : f32
      %max3A_126 = vector.broadcast %max3A_125 : f32 to vector<16xf32>
      %max3A_127 = arith.maximumf %mul3A_124, %max3A_126 : vector<16xf32>
      %min3A_128 = arith.constant 1.000000e+02 : f32
      %min3A_129 = vector.broadcast %min3A_128 : f32 to vector<16xf32>
      %min3A_130 = arith.minimumf %max3A_127, %min3A_129 : vector<16xf32>
      %add3A_131 = arith.addf %add3A_121, %min3A_130 : vector<16xf32>
      %swap3A = arith.index_cast %multiple_of3A : i32 to index
      %swap3A_132 = tpu.vector_load %arg17[%swap3A] {strides = array<i32>} : memref<4096xf32, #tpu.memory_space<vmem>>, vector<16xf32>,
      tpu.vector_store %arg17[%swap3A], %add3A_131 {strides = array<i32>} : memref<4096xf32, #tpu.memory_space<vmem>>, vector<16xf32>,
    }
    %scan3A_32 = arith.constant 256 : i32
    "tpu.region"() ({
      %run_scoped3A = tpu.sem_alloc : memref<!tpu.dma_semaphore, #tpu.memory_space<semaphore_mem>>
      %dma_start3A_68 = arith.constant 0 : i32
      %dma_start3A_69 = tpu.memref_slice %arg10[%add3A_4, %dma_start3A_68] : memref<64x4096xf32, #tpu.memory_space<hbm>> -> memref<1x4096xf32, #tpu.memory_space<hbm>>
      %dma_start3A_70 = tpu.memref_squeeze %dma_start3A_69 : memref<1x4096xf32, #tpu.memory_space<hbm>> -> memref<4096xf32, #tpu.memory_space<hbm>>
      %dma_start3A_71 = arith.constant 0 : i32
      %dma_start3A_72 = tpu.memref_slice %arg10[%add3A_4, %dma_start3A_71] : memref<64x4096xf32, #tpu.memory_space<hbm>> -> memref<1x4096xf32, #tpu.memory_space<hbm>>
      %dma_start3A_73 = tpu.memref_squeeze %dma_start3A_72 : memref<1x4096xf32, #tpu.memory_space<hbm>> -> memref<4096xf32, #tpu.memory_space<hbm>>
      tpu.enqueue_dma source(%arg17 : memref<4096xf32, #tpu.memory_space<vmem>>) target(%dma_start3A_73 : memref<4096xf32, #tpu.memory_space<hbm>>) target_semaphore(%run_scoped3A : memref<!tpu.dma_semaphore, #tpu.memory_space<semaphore_mem>>)
      %dma_wait3A_74 = arith.constant 0 : i32
      %dma_wait3A_75 = tpu.memref_slice %arg10[%add3A_4, %dma_wait3A_74] : memref<64x4096xf32, #tpu.memory_space<hbm>> -> memref<1x4096xf32, #tpu.memory_space<hbm>>
      %dma_wait3A_76 = tpu.memref_squeeze %dma_wait3A_75 : memref<1x4096xf32, #tpu.memory_space<hbm>> -> memref<4096xf32, #tpu.memory_space<hbm>>
      %dma_wait3A_77 = arith.constant 0 : i32
      %dma_wait3A_78 = tpu.memref_slice %arg10[%add3A_4, %dma_wait3A_77] : memref<64x4096xf32, #tpu.memory_space<hbm>> -> memref<1x4096xf32, #tpu.memory_space<hbm>>
      %dma_wait3A_79 = tpu.memref_squeeze %dma_wait3A_78 : memref<1x4096xf32, #tpu.memory_space<hbm>> -> memref<4096xf32, #tpu.memory_space<hbm>>
      tpu.wait_dma2 semaphore(%run_scoped3A : memref<!tpu.dma_semaphore, #tpu.memory_space<semaphore_mem>>) src(%arg17 : memref<4096xf32, #tpu.memory_space<vmem>>) dst(%dma_wait3A_79 : memref<4096xf32, #tpu.memory_space<hbm>>)
      tpu.yield
    }) : () -> ()
    %mul3A_33 = arith.constant 2 : i32
    %mul3A_34 = arith.muli %add3A, %mul3A_33 : i32
    %add3A_35 = arith.constant 1 : i32
    %add3A_36 = arith.addi %mul3A_34, %add3A_35 : i32
    %dma_start3A_37 = arith.constant 0 : i32
    %dma_start3A_38 = arith.constant 0 : i32
    %dma_start3A_39 = tpu.memref_slice %arg5[%add3A_36, %dma_start3A_37, %dma_start3A_38] : memref<64x200x200xf32, #tpu.memory_space<hbm>> -> memref<1x200x200xf32, #tpu.memory_space<hbm>>
    %dma_start3A_40 = tpu.memref_squeeze %dma_start3A_39 : memref<1x200x200xf32, #tpu.memory_space<hbm>> -> memref<200x200xf32, #tpu.memory_space<hbm>>
    %dma_start3A_41 = arith.constant 0 : i32
    %dma_start3A_42 = arith.constant 0 : i32
    %dma_start3A_43 = tpu.memref_slice %arg5[%add3A_36, %dma_start3A_41, %dma_start3A_42] : memref<64x200x200xf32, #tpu.memory_space<hbm>> -> memref<1x200x200xf32, #tpu.memory_space<hbm>>
    %dma_start3A_44 = tpu.memref_squeeze %dma_start3A_43 : memref<1x200x200xf32, #tpu.memory_space<hbm>> -> memref<200x200xf32, #tpu.memory_space<hbm>>
    tpu.enqueue_dma source(%dma_start3A_44 : memref<200x200xf32, #tpu.memory_space<hbm>>) target(%arg12 : memref<200x200xf32, #tpu.memory_space<vmem>>) target_semaphore(%arg18 : memref<!tpu.dma_semaphore, #tpu.memory_space<semaphore_mem>>)
    "tpu.region"() ({
      %run_scoped3A = tpu.sem_alloc : memref<!tpu.dma_semaphore, #tpu.memory_space<semaphore_mem>>
      %dma_start3A_68 = arith.constant 0 : i32
      %dma_start3A_69 = tpu.memref_slice %arg6[%add3A_36, %dma_start3A_68] : memref<64x4096xi32, #tpu.memory_space<hbm>> -> memref<1x4096xi32, #tpu.memory_space<hbm>>
      %dma_start3A_70 = tpu.memref_squeeze %dma_start3A_69 : memref<1x4096xi32, #tpu.memory_space<hbm>> -> memref<4096xi32, #tpu.memory_space<hbm>>
      %dma_start3A_71 = arith.constant 0 : i32
      %dma_start3A_72 = tpu.memref_slice %arg6[%add3A_36, %dma_start3A_71] : memref<64x4096xi32, #tpu.memory_space<hbm>> -> memref<1x4096xi32, #tpu.memory_space<hbm>>
      %dma_start3A_73 = tpu.memref_squeeze %dma_start3A_72 : memref<1x4096xi32, #tpu.memory_space<hbm>> -> memref<4096xi32, #tpu.memory_space<hbm>>
      tpu.enqueue_dma source(%dma_start3A_73 : memref<4096xi32, #tpu.memory_space<hbm>>) target(%arg13 : memref<4096xi32, #tpu.memory_space<vmem>>) target_semaphore(%run_scoped3A : memref<!tpu.dma_semaphore, #tpu.memory_space<semaphore_mem>>)
      %dma_wait3A_74 = arith.constant 0 : i32
      %dma_wait3A_75 = tpu.memref_slice %arg6[%add3A_36, %dma_wait3A_74] : memref<64x4096xi32, #tpu.memory_space<hbm>> -> memref<1x4096xi32, #tpu.memory_space<hbm>>
      %dma_wait3A_76 = tpu.memref_squeeze %dma_wait3A_75 : memref<1x4096xi32, #tpu.memory_space<hbm>> -> memref<4096xi32, #tpu.memory_space<hbm>>
      %dma_wait3A_77 = arith.constant 0 : i32
      %dma_wait3A_78 = tpu.memref_slice %arg6[%add3A_36, %dma_wait3A_77] : memref<64x4096xi32, #tpu.memory_space<hbm>> -> memref<1x4096xi32, #tpu.memory_space<hbm>>
      %dma_wait3A_79 = tpu.memref_squeeze %dma_wait3A_78 : memref<1x4096xi32, #tpu.memory_space<hbm>> -> memref<4096xi32, #tpu.memory_space<hbm>>
      tpu.wait_dma2 semaphore(%run_scoped3A : memref<!tpu.dma_semaphore, #tpu.memory_space<semaphore_mem>>) src(%dma_wait3A_79 : memref<4096xi32, #tpu.memory_space<hbm>>) dst(%arg13 : memref<4096xi32, #tpu.memory_space<vmem>>)
      tpu.yield
    }) : () -> ()
    "tpu.region"() ({
      %run_scoped3A = tpu.sem_alloc : memref<!tpu.dma_semaphore, #tpu.memory_space<semaphore_mem>>
      %dma_start3A_68 = arith.constant 0 : i32
      %dma_start3A_69 = tpu.memref_slice %arg7[%add3A_36, %dma_start3A_68] : memref<64x4096xi32, #tpu.memory_space<hbm>> -> memref<1x4096xi32, #tpu.memory_space<hbm>>
      %dma_start3A_70 = tpu.memref_squeeze %dma_start3A_69 : memref<1x4096xi32, #tpu.memory_space<hbm>> -> memref<4096xi32, #tpu.memory_space<hbm>>
      %dma_start3A_71 = arith.constant 0 : i32
      %dma_start3A_72 = tpu.memref_slice %arg7[%add3A_36, %dma_start3A_71] : memref<64x4096xi32, #tpu.memory_space<hbm>> -> memref<1x4096xi32, #tpu.memory_space<hbm>>
      %dma_start3A_73 = tpu.memref_squeeze %dma_start3A_72 : memref<1x4096xi32, #tpu.memory_space<hbm>> -> memref<4096xi32, #tpu.memory_space<hbm>>
      tpu.enqueue_dma source(%dma_start3A_73 : memref<4096xi32, #tpu.memory_space<hbm>>) target(%arg14 : memref<4096xi32, #tpu.memory_space<vmem>>) target_semaphore(%run_scoped3A : memref<!tpu.dma_semaphore, #tpu.memory_space<semaphore_mem>>)
      %dma_wait3A_74 = arith.constant 0 : i32
      %dma_wait3A_75 = tpu.memref_slice %arg7[%add3A_36, %dma_wait3A_74] : memref<64x4096xi32, #tpu.memory_space<hbm>> -> memref<1x4096xi32, #tpu.memory_space<hbm>>
      %dma_wait3A_76 = tpu.memref_squeeze %dma_wait3A_75 : memref<1x4096xi32, #tpu.memory_space<hbm>> -> memref<4096xi32, #tpu.memory_space<hbm>>
      %dma_wait3A_77 = arith.constant 0 : i32
      %dma_wait3A_78 = tpu.memref_slice %arg7[%add3A_36, %dma_wait3A_77] : memref<64x4096xi32, #tpu.memory_space<hbm>> -> memref<1x4096xi32, #tpu.memory_space<hbm>>
      %dma_wait3A_79 = tpu.memref_squeeze %dma_wait3A_78 : memref<1x4096xi32, #tpu.memory_space<hbm>> -> memref<4096xi32, #tpu.memory_space<hbm>>
      tpu.wait_dma2 semaphore(%run_scoped3A : memref<!tpu.dma_semaphore, #tpu.memory_space<semaphore_mem>>) src(%dma_wait3A_79 : memref<4096xi32, #tpu.memory_space<hbm>>) dst(%arg14 : memref<4096xi32, #tpu.memory_space<vmem>>)
      tpu.yield
    }) : () -> ()
    "tpu.region"() ({
      %run_scoped3A = tpu.sem_alloc : memref<!tpu.dma_semaphore, #tpu.memory_space<semaphore_mem>>
      %dma_start3A_68 = arith.constant 0 : i32
      %dma_start3A_69 = tpu.memref_slice %arg8[%add3A_36, %dma_start3A_68] : memref<64x4096xi32, #tpu.memory_space<hbm>> -> memref<1x4096xi32, #tpu.memory_space<hbm>>
      %dma_start3A_70 = tpu.memref_squeeze %dma_start3A_69 : memref<1x4096xi32, #tpu.memory_space<hbm>> -> memref<4096xi32, #tpu.memory_space<hbm>>
      %dma_start3A_71 = arith.constant 0 : i32
      %dma_start3A_72 = tpu.memref_slice %arg8[%add3A_36, %dma_start3A_71] : memref<64x4096xi32, #tpu.memory_space<hbm>> -> memref<1x4096xi32, #tpu.memory_space<hbm>>
      %dma_start3A_73 = tpu.memref_squeeze %dma_start3A_72 : memref<1x4096xi32, #tpu.memory_space<hbm>> -> memref<4096xi32, #tpu.memory_space<hbm>>
      tpu.enqueue_dma source(%dma_start3A_73 : memref<4096xi32, #tpu.memory_space<hbm>>) target(%arg15 : memref<4096xi32, #tpu.memory_space<vmem>>) target_semaphore(%run_scoped3A : memref<!tpu.dma_semaphore, #tpu.memory_space<semaphore_mem>>)
      %dma_wait3A_74 = arith.constant 0 : i32
      %dma_wait3A_75 = tpu.memref_slice %arg8[%add3A_36, %dma_wait3A_74] : memref<64x4096xi32, #tpu.memory_space<hbm>> -> memref<1x4096xi32, #tpu.memory_space<hbm>>
      %dma_wait3A_76 = tpu.memref_squeeze %dma_wait3A_75 : memref<1x4096xi32, #tpu.memory_space<hbm>> -> memref<4096xi32, #tpu.memory_space<hbm>>
      %dma_wait3A_77 = arith.constant 0 : i32
      %dma_wait3A_78 = tpu.memref_slice %arg8[%add3A_36, %dma_wait3A_77] : memref<64x4096xi32, #tpu.memory_space<hbm>> -> memref<1x4096xi32, #tpu.memory_space<hbm>>
      %dma_wait3A_79 = tpu.memref_squeeze %dma_wait3A_78 : memref<1x4096xi32, #tpu.memory_space<hbm>> -> memref<4096xi32, #tpu.memory_space<hbm>>
      tpu.wait_dma2 semaphore(%run_scoped3A : memref<!tpu.dma_semaphore, #tpu.memory_space<semaphore_mem>>) src(%dma_wait3A_79 : memref<4096xi32, #tpu.memory_space<hbm>>) dst(%arg15 : memref<4096xi32, #tpu.memory_space<vmem>>)
      tpu.yield
    }) : () -> ()
    "tpu.region"() ({
      %run_scoped3A = tpu.sem_alloc : memref<!tpu.dma_semaphore, #tpu.memory_space<semaphore_mem>>
      %dma_start3A_68 = arith.constant 0 : i32
      %dma_start3A_69 = tpu.memref_slice %arg9[%add3A_36, %dma_start3A_68] : memref<64x4096xf32, #tpu.memory_space<hbm>> -> memref<1x4096xf32, #tpu.memory_space<hbm>>
      %dma_start3A_70 = tpu.memref_squeeze %dma_start3A_69 : memref<1x4096xf32, #tpu.memory_space<hbm>> -> memref<4096xf32, #tpu.memory_space<hbm>>
      %dma_start3A_71 = arith.constant 0 : i32
      %dma_start3A_72 = tpu.memref_slice %arg9[%add3A_36, %dma_start3A_71] : memref<64x4096xf32, #tpu.memory_space<hbm>> -> memref<1x4096xf32, #tpu.memory_space<hbm>>
      %dma_start3A_73 = tpu.memref_squeeze %dma_start3A_72 : memref<1x4096xf32, #tpu.memory_space<hbm>> -> memref<4096xf32, #tpu.memory_space<hbm>>
      tpu.enqueue_dma source(%dma_start3A_73 : memref<4096xf32, #tpu.memory_space<hbm>>) target(%arg16 : memref<4096xf32, #tpu.memory_space<vmem>>) target_semaphore(%run_scoped3A : memref<!tpu.dma_semaphore, #tpu.memory_space<semaphore_mem>>)
      %dma_wait3A_74 = arith.constant 0 : i32
      %dma_wait3A_75 = tpu.memref_slice %arg9[%add3A_36, %dma_wait3A_74] : memref<64x4096xf32, #tpu.memory_space<hbm>> -> memref<1x4096xf32, #tpu.memory_space<hbm>>
      %dma_wait3A_76 = tpu.memref_squeeze %dma_wait3A_75 : memref<1x4096xf32, #tpu.memory_space<hbm>> -> memref<4096xf32, #tpu.memory_space<hbm>>
      %dma_wait3A_77 = arith.constant 0 : i32
      %dma_wait3A_78 = tpu.memref_slice %arg9[%add3A_36, %dma_wait3A_77] : memref<64x4096xf32, #tpu.memory_space<hbm>> -> memref<1x4096xf32, #tpu.memory_space<hbm>>
      %dma_wait3A_79 = tpu.memref_squeeze %dma_wait3A_78 : memref<1x4096xf32, #tpu.memory_space<hbm>> -> memref<4096xf32, #tpu.memory_space<hbm>>
      tpu.wait_dma2 semaphore(%run_scoped3A : memref<!tpu.dma_semaphore, #tpu.memory_space<semaphore_mem>>) src(%dma_wait3A_79 : memref<4096xf32, #tpu.memory_space<hbm>>) dst(%arg16 : memref<4096xf32, #tpu.memory_space<vmem>>)
      tpu.yield
    }) : () -> ()
    "tpu.region"() ({
      %run_scoped3A = tpu.sem_alloc : memref<!tpu.dma_semaphore, #tpu.memory_space<semaphore_mem>>
      %dma_start3A_68 = arith.constant 0 : i32
      %dma_start3A_69 = arith.constant 0 : i32
      %dma_start3A_70 = tpu.memref_slice %arg2[%add3A_36, %dma_start3A_68, %dma_start3A_69] : memref<64x225x256xf32, #tpu.memory_space<hbm>> -> memref<1x225x256xf32, #tpu.memory_space<hbm>>
      %dma_start3A_71 = tpu.memref_squeeze %dma_start3A_70 : memref<1x225x256xf32, #tpu.memory_space<hbm>> -> memref<225x256xf32, #tpu.memory_space<hbm>>
      %dma_start3A_72 = arith.constant 0 : i32
      %dma_start3A_73 = arith.constant 0 : i32
      %dma_start3A_74 = tpu.memref_slice %arg2[%add3A_36, %dma_start3A_72, %dma_start3A_73] : memref<64x225x256xf32, #tpu.memory_space<hbm>> -> memref<1x225x256xf32, #tpu.memory_space<hbm>>
      %dma_start3A_75 = tpu.memref_squeeze %dma_start3A_74 : memref<1x225x256xf32, #tpu.memory_space<hbm>> -> memref<225x256xf32, #tpu.memory_space<hbm>>
      tpu.enqueue_dma source(%dma_start3A_75 : memref<225x256xf32, #tpu.memory_space<hbm>>) target(%arg11 : memref<225x256xf32, #tpu.memory_space<vmem>>) target_semaphore(%run_scoped3A : memref<!tpu.dma_semaphore, #tpu.memory_space<semaphore_mem>>)
      %dma_wait3A_76 = arith.constant 0 : i32
      %dma_wait3A_77 = arith.constant 0 : i32
      %dma_wait3A_78 = tpu.memref_slice %arg2[%add3A_36, %dma_wait3A_76, %dma_wait3A_77] : memref<64x225x256xf32, #tpu.memory_space<hbm>> -> memref<1x225x256xf32, #tpu.memory_space<hbm>>
      %dma_wait3A_79 = tpu.memref_squeeze %dma_wait3A_78 : memref<1x225x256xf32, #tpu.memory_space<hbm>> -> memref<225x256xf32, #tpu.memory_space<hbm>>
      %dma_wait3A_80 = arith.constant 0 : i32
      %dma_wait3A_81 = arith.constant 0 : i32
      %dma_wait3A_82 = tpu.memref_slice %arg2[%add3A_36, %dma_wait3A_80, %dma_wait3A_81] : memref<64x225x256xf32, #tpu.memory_space<hbm>> -> memref<1x225x256xf32, #tpu.memory_space<hbm>>
      %dma_wait3A_83 = tpu.memref_squeeze %dma_wait3A_82 : memref<1x225x256xf32, #tpu.memory_space<hbm>> -> memref<225x256xf32, #tpu.memory_space<hbm>>
      tpu.wait_dma2 semaphore(%run_scoped3A : memref<!tpu.dma_semaphore, #tpu.memory_space<semaphore_mem>>) src(%dma_wait3A_83 : memref<225x256xf32, #tpu.memory_space<hbm>>) dst(%arg11 : memref<225x256xf32, #tpu.memory_space<vmem>>)
      tpu.yield
    }) : () -> ()
    %scan3A_45 = arith.constant 0 : i32
    %scan3A_46 = arith.constant 256 : i32
    %scan3A_47 = arith.addi %scan3A_45, %scan3A_46 : i32
    %scan3A_48 = arith.constant 1 : i32
    scf.for %scan3A_68 = %scan3A_45 to %scan3A_47 step %scan3A_48  : i32 {
      %mul3A_69 = arith.constant 1 : i32
      %mul3A_70 = arith.muli %scan3A_68, %mul3A_69 : i32
      %add3A_71 = arith.constant 0 : i32
      %add3A_72 = arith.addi %add3A_71, %mul3A_70 : i32
      %mul3A_73 = arith.constant 16 : i32
      %mul3A_74 = arith.muli %add3A_72, %mul3A_73 : i32
      %multiple_of3A = tpu.assume_multiple %mul3A_74, 16 : i32
      %get3A = arith.index_cast %multiple_of3A : i32 to index
      %get3A_75 = tpu.vector_load %arg13[%get3A] {strides = array<i32>} : memref<4096xi32, #tpu.memory_space<vmem>>, vector<16xi32>,
      %shift_right_logical3A = arith.constant 8 : i32
      %shift_right_logical3A_76 = vector.broadcast %shift_right_logical3A : i32 to vector<16xi32>
      %shift_right_logical3A_77 = arith.shrui %get3A_75, %shift_right_logical3A_76 : vector<16xi32>
      %and3A = arith.constant 255 : i32
      %and3A_78 = vector.broadcast %and3A : i32 to vector<16xi32>
      %and3A_79 = arith.andi %get3A_75, %and3A_78 : vector<16xi32>
      %get3A_80 = arith.index_cast %multiple_of3A : i32 to index
      %get3A_81 = tpu.vector_load %arg16[%get3A_80] {strides = array<i32>} : memref<4096xf32, #tpu.memory_space<vmem>>, vector<16xf32>,
      %add3A_82 = arith.constant 98 : i32
      %add3A_83 = vector.broadcast %add3A_82 : i32 to vector<16xi32>
      %add3A_84 = arith.addi %shift_right_logical3A_77, %add3A_83 : vector<16xi32>
      %add3A_85 = arith.constant 97 : i32
      %add3A_86 = vector.broadcast %add3A_85 : i32 to vector<16xi32>
      %add3A_87 = arith.addi %and3A_79, %add3A_86 : vector<16xi32>
      %gather3A = tpu.vector_load_idx %arg11[%add3A_84, %add3A_87] : memref<225x256xf32, #tpu.memory_space<vmem>>[vector<16xi32>, vector<16xi32>], vector<16xf32>,
      %add3A_88 = arith.constant 8 : i32
      %add3A_89 = vector.broadcast %add3A_88 : i32 to vector<16xi32>
      %add3A_90 = arith.addi %add3A_87, %add3A_89 : vector<16xi32>
      %gather3A_91 = tpu.vector_load_idx %arg11[%add3A_84, %add3A_90] : memref<225x256xf32, #tpu.memory_space<vmem>>[vector<16xi32>, vector<16xi32>], vector<16xf32>,
      %add3A_92 = arith.constant 4 : i32
      %add3A_93 = vector.broadcast %add3A_92 : i32 to vector<16xi32>
      %add3A_94 = arith.addi %add3A_84, %add3A_93 : vector<16xi32>
      %gather3A_95 = tpu.vector_load_idx %arg11[%add3A_94, %add3A_87] : memref<225x256xf32, #tpu.memory_space<vmem>>[vector<16xi32>, vector<16xi32>], vector<16xf32>,
      %add3A_96 = arith.constant 4 : i32
      %add3A_97 = vector.broadcast %add3A_96 : i32 to vector<16xi32>
      %add3A_98 = arith.addi %add3A_84, %add3A_97 : vector<16xi32>
      %add3A_99 = arith.constant 8 : i32
      %add3A_100 = vector.broadcast %add3A_99 : i32 to vector<16xi32>
      %add3A_101 = arith.addi %add3A_87, %add3A_100 : vector<16xi32>
      %gather3A_102 = tpu.vector_load_idx %arg11[%add3A_98, %add3A_101] : memref<225x256xf32, #tpu.memory_space<vmem>>[vector<16xi32>, vector<16xi32>], vector<16xf32>,
      %sub3A = arith.subf %gather3A_102, %gather3A_91 : vector<16xf32>
      %sub3A_103 = arith.subf %gather3A_95, %gather3A : vector<16xf32>
      %sub3A_104 = arith.subf %sub3A, %sub3A_103 : vector<16xf32>
      %add3A_105 = arith.constant 94 : i32
      %add3A_106 = vector.broadcast %add3A_105 : i32 to vector<16xi32>
      %add3A_107 = arith.addi %shift_right_logical3A_77, %add3A_106 : vector<16xi32>
      %add3A_108 = arith.constant 93 : i32
      %add3A_109 = vector.broadcast %add3A_108 : i32 to vector<16xi32>
      %add3A_110 = arith.addi %and3A_79, %add3A_109 : vector<16xi32>
      %gather3A_111 = tpu.vector_load_idx %arg11[%add3A_107, %add3A_110] : memref<225x256xf32, #tpu.memory_space<vmem>>[vector<16xi32>, vector<16xi32>], vector<16xf32>,
      %add3A_112 = arith.constant 16 : i32
      %add3A_113 = vector.broadcast %add3A_112 : i32 to vector<16xi32>
      %add3A_114 = arith.addi %add3A_110, %add3A_113 : vector<16xi32>
      %gather3A_115 = tpu.vector_load_idx %arg11[%add3A_107, %add3A_114] : memref<225x256xf32, #tpu.memory_space<vmem>>[vector<16xi32>, vector<16xi32>], vector<16xf32>,
      %add3A_116 = arith.constant 12 : i32
      %add3A_117 = vector.broadcast %add3A_116 : i32 to vector<16xi32>
      %add3A_118 = arith.addi %add3A_107, %add3A_117 : vector<16xi32>
      %gather3A_119 = tpu.vector_load_idx %arg11[%add3A_118, %add3A_110] : memref<225x256xf32, #tpu.memory_space<vmem>>[vector<16xi32>, vector<16xi32>], vector<16xf32>,
      %add3A_120 = arith.constant 12 : i32
      %add3A_121 = vector.broadcast %add3A_120 : i32 to vector<16xi32>
      %add3A_122 = arith.addi %add3A_107, %add3A_121 : vector<16xi32>
      %add3A_123 = arith.constant 16 : i32
      %add3A_124 = vector.broadcast %add3A_123 : i32 to vector<16xi32>
      %add3A_125 = arith.addi %add3A_110, %add3A_124 : vector<16xi32>
      %gather3A_126 = tpu.vector_load_idx %arg11[%add3A_122, %add3A_125] : memref<225x256xf32, #tpu.memory_space<vmem>>[vector<16xi32>, vector<16xi32>], vector<16xf32>,
      %sub3A_127 = arith.subf %gather3A_126, %gather3A_115 : vector<16xf32>
      %sub3A_128 = arith.subf %gather3A_119, %gather3A_111 : vector<16xf32>
      %sub3A_129 = arith.subf %sub3A_127, %sub3A_128 : vector<16xf32>
      %mul3A_130 = arith.mulf %sub3A_129, %get3A_81 : vector<16xf32>
      %add3A_131 = arith.addf %sub3A_104, %mul3A_130 : vector<16xf32>
      %mul3A_132 = arith.constant 1.000000e-01 : f32
      %mul3A_133 = vector.broadcast %mul3A_132 : f32 to vector<16xf32>
      %mul3A_134 = arith.mulf %add3A_131, %mul3A_133 : vector<16xf32>
      %max3A = arith.constant 0.000000e+00 : f32
      %max3A_135 = vector.broadcast %max3A : f32 to vector<16xf32>
      %max3A_136 = arith.maximumf %mul3A_134, %max3A_135 : vector<16xf32>
      %min3A = arith.constant 1.000000e+02 : f32
      %min3A_137 = vector.broadcast %min3A : f32 to vector<16xf32>
      %min3A_138 = arith.minimumf %max3A_136, %min3A_137 : vector<16xf32>
      %swap3A = arith.index_cast %multiple_of3A : i32 to index
      %swap3A_139 = tpu.vector_load %arg17[%swap3A] {strides = array<i32>} : memref<4096xf32, #tpu.memory_space<vmem>>, vector<16xf32>,
      tpu.vector_store %arg17[%swap3A], %min3A_138 {strides = array<i32>} : memref<4096xf32, #tpu.memory_space<vmem>>, vector<16xf32>,
    }
    %scan3A_49 = arith.constant 256 : i32
    "tpu.region"() ({
      %run_scoped3A = tpu.sem_alloc : memref<!tpu.dma_semaphore, #tpu.memory_space<semaphore_mem>>
      %dma_start3A_68 = arith.constant 0 : i32
      %dma_start3A_69 = arith.constant 0 : i32
      %dma_start3A_70 = tpu.memref_slice %arg3[%add3A_36, %dma_start3A_68, %dma_start3A_69] : memref<64x225x256xf32, #tpu.memory_space<hbm>> -> memref<1x225x256xf32, #tpu.memory_space<hbm>>
      %dma_start3A_71 = tpu.memref_squeeze %dma_start3A_70 : memref<1x225x256xf32, #tpu.memory_space<hbm>> -> memref<225x256xf32, #tpu.memory_space<hbm>>
      %dma_start3A_72 = arith.constant 0 : i32
      %dma_start3A_73 = arith.constant 0 : i32
      %dma_start3A_74 = tpu.memref_slice %arg3[%add3A_36, %dma_start3A_72, %dma_start3A_73] : memref<64x225x256xf32, #tpu.memory_space<hbm>> -> memref<1x225x256xf32, #tpu.memory_space<hbm>>
      %dma_start3A_75 = tpu.memref_squeeze %dma_start3A_74 : memref<1x225x256xf32, #tpu.memory_space<hbm>> -> memref<225x256xf32, #tpu.memory_space<hbm>>
      tpu.enqueue_dma source(%dma_start3A_75 : memref<225x256xf32, #tpu.memory_space<hbm>>) target(%arg11 : memref<225x256xf32, #tpu.memory_space<vmem>>) target_semaphore(%run_scoped3A : memref<!tpu.dma_semaphore, #tpu.memory_space<semaphore_mem>>)
      %dma_wait3A_76 = arith.constant 0 : i32
      %dma_wait3A_77 = arith.constant 0 : i32
      %dma_wait3A_78 = tpu.memref_slice %arg3[%add3A_36, %dma_wait3A_76, %dma_wait3A_77] : memref<64x225x256xf32, #tpu.memory_space<hbm>> -> memref<1x225x256xf32, #tpu.memory_space<hbm>>
      %dma_wait3A_79 = tpu.memref_squeeze %dma_wait3A_78 : memref<1x225x256xf32, #tpu.memory_space<hbm>> -> memref<225x256xf32, #tpu.memory_space<hbm>>
      %dma_wait3A_80 = arith.constant 0 : i32
      %dma_wait3A_81 = arith.constant 0 : i32
      %dma_wait3A_82 = tpu.memref_slice %arg3[%add3A_36, %dma_wait3A_80, %dma_wait3A_81] : memref<64x225x256xf32, #tpu.memory_space<hbm>> -> memref<1x225x256xf32, #tpu.memory_space<hbm>>
      %dma_wait3A_83 = tpu.memref_squeeze %dma_wait3A_82 : memref<1x225x256xf32, #tpu.memory_space<hbm>> -> memref<225x256xf32, #tpu.memory_space<hbm>>
      tpu.wait_dma2 semaphore(%run_scoped3A : memref<!tpu.dma_semaphore, #tpu.memory_space<semaphore_mem>>) src(%dma_wait3A_83 : memref<225x256xf32, #tpu.memory_space<hbm>>) dst(%arg11 : memref<225x256xf32, #tpu.memory_space<vmem>>)
      tpu.yield
    }) : () -> ()
    %scan3A_50 = arith.constant 0 : i32
    %scan3A_51 = arith.constant 256 : i32
    %scan3A_52 = arith.addi %scan3A_50, %scan3A_51 : i32
    %scan3A_53 = arith.constant 1 : i32
    scf.for %scan3A_68 = %scan3A_50 to %scan3A_52 step %scan3A_53  : i32 {
      %mul3A_69 = arith.constant 1 : i32
      %mul3A_70 = arith.muli %scan3A_68, %mul3A_69 : i32
      %add3A_71 = arith.constant 0 : i32
      %add3A_72 = arith.addi %add3A_71, %mul3A_70 : i32
      %mul3A_73 = arith.constant 16 : i32
      %mul3A_74 = arith.muli %add3A_72, %mul3A_73 : i32
      %multiple_of3A = tpu.assume_multiple %mul3A_74, 16 : i32
      %get3A = arith.index_cast %multiple_of3A : i32 to index
      %get3A_75 = tpu.vector_load %arg14[%get3A] {strides = array<i32>} : memref<4096xi32, #tpu.memory_space<vmem>>, vector<16xi32>,
      %shift_right_logical3A = arith.constant 8 : i32
      %shift_right_logical3A_76 = vector.broadcast %shift_right_logical3A : i32 to vector<16xi32>
      %shift_right_logical3A_77 = arith.shrui %get3A_75, %shift_right_logical3A_76 : vector<16xi32>
      %add3A_78 = arith.constant 98 : i32
      %add3A_79 = vector.broadcast %add3A_78 : i32 to vector<16xi32>
      %add3A_80 = arith.addi %shift_right_logical3A_77, %add3A_79 : vector<16xi32>
      %and3A = arith.constant 255 : i32
      %and3A_81 = vector.broadcast %and3A : i32 to vector<16xi32>
      %and3A_82 = arith.andi %get3A_75, %and3A_81 : vector<16xi32>
      %add3A_83 = arith.constant 97 : i32
      %add3A_84 = vector.broadcast %add3A_83 : i32 to vector<16xi32>
      %add3A_85 = arith.addi %and3A_82, %add3A_84 : vector<16xi32>
      %gather3A = tpu.vector_load_idx %arg11[%add3A_80, %add3A_85] : memref<225x256xf32, #tpu.memory_space<vmem>>[vector<16xi32>, vector<16xi32>], vector<16xf32>,
      %add3A_86 = arith.constant 8 : i32
      %add3A_87 = vector.broadcast %add3A_86 : i32 to vector<16xi32>
      %add3A_88 = arith.addi %add3A_85, %add3A_87 : vector<16xi32>
      %gather3A_89 = tpu.vector_load_idx %arg11[%add3A_80, %add3A_88] : memref<225x256xf32, #tpu.memory_space<vmem>>[vector<16xi32>, vector<16xi32>], vector<16xf32>,
      %add3A_90 = arith.constant 4 : i32
      %add3A_91 = vector.broadcast %add3A_90 : i32 to vector<16xi32>
      %add3A_92 = arith.addi %add3A_80, %add3A_91 : vector<16xi32>
      %gather3A_93 = tpu.vector_load_idx %arg11[%add3A_92, %add3A_85] : memref<225x256xf32, #tpu.memory_space<vmem>>[vector<16xi32>, vector<16xi32>], vector<16xf32>,
      %add3A_94 = arith.constant 4 : i32
      %add3A_95 = vector.broadcast %add3A_94 : i32 to vector<16xi32>
      %add3A_96 = arith.addi %add3A_80, %add3A_95 : vector<16xi32>
      %add3A_97 = arith.constant 8 : i32
      %add3A_98 = vector.broadcast %add3A_97 : i32 to vector<16xi32>
      %add3A_99 = arith.addi %add3A_85, %add3A_98 : vector<16xi32>
      %gather3A_100 = tpu.vector_load_idx %arg11[%add3A_96, %add3A_99] : memref<225x256xf32, #tpu.memory_space<vmem>>[vector<16xi32>, vector<16xi32>], vector<16xf32>,
      %sub3A = arith.subf %gather3A_100, %gather3A_89 : vector<16xf32>
      %sub3A_101 = arith.subf %gather3A_93, %gather3A : vector<16xf32>
      %sub3A_102 = arith.subf %sub3A, %sub3A_101 : vector<16xf32>
      %get3A_103 = arith.index_cast %multiple_of3A : i32 to index
      %get3A_104 = tpu.vector_load %arg17[%get3A_103] {strides = array<i32>} : memref<4096xf32, #tpu.memory_space<vmem>>, vector<16xf32>,
      %max3A = arith.constant 0.000000e+00 : f32
      %max3A_105 = vector.broadcast %max3A : f32 to vector<16xf32>
      %max3A_106 = arith.maximumf %sub3A_102, %max3A_105 : vector<16xf32>
      %min3A = arith.constant 1.000000e+02 : f32
      %min3A_107 = vector.broadcast %min3A : f32 to vector<16xf32>
      %min3A_108 = arith.minimumf %max3A_106, %min3A_107 : vector<16xf32>
      %add3A_109 = arith.addf %get3A_104, %min3A_108 : vector<16xf32>
      %swap3A = arith.index_cast %multiple_of3A : i32 to index
      %swap3A_110 = tpu.vector_load %arg17[%swap3A] {strides = array<i32>} : memref<4096xf32, #tpu.memory_space<vmem>>, vector<16xf32>,
      tpu.vector_store %arg17[%swap3A], %add3A_109 {strides = array<i32>} : memref<4096xf32, #tpu.memory_space<vmem>>, vector<16xf32>,
    }
    %scan3A_54 = arith.constant 256 : i32
    "tpu.region"() ({
      %run_scoped3A = tpu.sem_alloc : memref<!tpu.dma_semaphore, #tpu.memory_space<semaphore_mem>>
      %dma_start3A_68 = arith.constant 0 : i32
      %dma_start3A_69 = arith.constant 0 : i32
      %dma_start3A_70 = tpu.memref_slice %arg4[%add3A_36, %dma_start3A_68, %dma_start3A_69] : memref<64x225x256xf32, #tpu.memory_space<hbm>> -> memref<1x225x256xf32, #tpu.memory_space<hbm>>
      %dma_start3A_71 = tpu.memref_squeeze %dma_start3A_70 : memref<1x225x256xf32, #tpu.memory_space<hbm>> -> memref<225x256xf32, #tpu.memory_space<hbm>>
      %dma_start3A_72 = arith.constant 0 : i32
      %dma_start3A_73 = arith.constant 0 : i32
      %dma_start3A_74 = tpu.memref_slice %arg4[%add3A_36, %dma_start3A_72, %dma_start3A_73] : memref<64x225x256xf32, #tpu.memory_space<hbm>> -> memref<1x225x256xf32, #tpu.memory_space<hbm>>
      %dma_start3A_75 = tpu.memref_squeeze %dma_start3A_74 : memref<1x225x256xf32, #tpu.memory_space<hbm>> -> memref<225x256xf32, #tpu.memory_space<hbm>>
      tpu.enqueue_dma source(%dma_start3A_75 : memref<225x256xf32, #tpu.memory_space<hbm>>) target(%arg11 : memref<225x256xf32, #tpu.memory_space<vmem>>) target_semaphore(%run_scoped3A : memref<!tpu.dma_semaphore, #tpu.memory_space<semaphore_mem>>)
      %dma_wait3A_76 = arith.constant 0 : i32
      %dma_wait3A_77 = arith.constant 0 : i32
      %dma_wait3A_78 = tpu.memref_slice %arg4[%add3A_36, %dma_wait3A_76, %dma_wait3A_77] : memref<64x225x256xf32, #tpu.memory_space<hbm>> -> memref<1x225x256xf32, #tpu.memory_space<hbm>>
      %dma_wait3A_79 = tpu.memref_squeeze %dma_wait3A_78 : memref<1x225x256xf32, #tpu.memory_space<hbm>> -> memref<225x256xf32, #tpu.memory_space<hbm>>
      %dma_wait3A_80 = arith.constant 0 : i32
      %dma_wait3A_81 = arith.constant 0 : i32
      %dma_wait3A_82 = tpu.memref_slice %arg4[%add3A_36, %dma_wait3A_80, %dma_wait3A_81] : memref<64x225x256xf32, #tpu.memory_space<hbm>> -> memref<1x225x256xf32, #tpu.memory_space<hbm>>
      %dma_wait3A_83 = tpu.memref_squeeze %dma_wait3A_82 : memref<1x225x256xf32, #tpu.memory_space<hbm>> -> memref<225x256xf32, #tpu.memory_space<hbm>>
      tpu.wait_dma2 semaphore(%run_scoped3A : memref<!tpu.dma_semaphore, #tpu.memory_space<semaphore_mem>>) src(%dma_wait3A_83 : memref<225x256xf32, #tpu.memory_space<hbm>>) dst(%arg11 : memref<225x256xf32, #tpu.memory_space<vmem>>)
      tpu.yield
    }) : () -> ()
    %dma_wait3A_55 = arith.constant 0 : i32
    %dma_wait3A_56 = arith.constant 0 : i32
    %dma_wait3A_57 = tpu.memref_slice %arg5[%add3A_36, %dma_wait3A_55, %dma_wait3A_56] : memref<64x200x200xf32, #tpu.memory_space<hbm>> -> memref<1x200x200xf32, #tpu.memory_space<hbm>>
    %dma_wait3A_58 = tpu.memref_squeeze %dma_wait3A_57 : memref<1x200x200xf32, #tpu.memory_space<hbm>> -> memref<200x200xf32, #tpu.memory_space<hbm>>
    %dma_wait3A_59 = arith.constant 0 : i32
    %dma_wait3A_60 = arith.constant 0 : i32
    %dma_wait3A_61 = tpu.memref_slice %arg5[%add3A_36, %dma_wait3A_59, %dma_wait3A_60] : memref<64x200x200xf32, #tpu.memory_space<hbm>> -> memref<1x200x200xf32, #tpu.memory_space<hbm>>
    %dma_wait3A_62 = tpu.memref_squeeze %dma_wait3A_61 : memref<1x200x200xf32, #tpu.memory_space<hbm>> -> memref<200x200xf32, #tpu.memory_space<hbm>>
    tpu.wait_dma2 semaphore(%arg18 : memref<!tpu.dma_semaphore, #tpu.memory_space<semaphore_mem>>) src(%dma_wait3A_62 : memref<200x200xf32, #tpu.memory_space<hbm>>) dst(%arg12 : memref<200x200xf32, #tpu.memory_space<vmem>>)
    %scan3A_63 = arith.constant 0 : i32
    %scan3A_64 = arith.constant 256 : i32
    %scan3A_65 = arith.addi %scan3A_63, %scan3A_64 : i32
    %scan3A_66 = arith.constant 1 : i32
    scf.for %scan3A_68 = %scan3A_63 to %scan3A_65 step %scan3A_66  : i32 {
      %mul3A_69 = arith.constant 1 : i32
      %mul3A_70 = arith.muli %scan3A_68, %mul3A_69 : i32
      %add3A_71 = arith.constant 0 : i32
      %add3A_72 = arith.addi %add3A_71, %mul3A_70 : i32
      %mul3A_73 = arith.constant 16 : i32
      %mul3A_74 = arith.muli %add3A_72, %mul3A_73 : i32
      %multiple_of3A = tpu.assume_multiple %mul3A_74, 16 : i32
      %get3A = arith.index_cast %multiple_of3A : i32 to index
      %get3A_75 = tpu.vector_load %arg13[%get3A] {strides = array<i32>} : memref<4096xi32, #tpu.memory_space<vmem>>, vector<16xi32>,
      %shift_right_logical3A = arith.constant 8 : i32
      %shift_right_logical3A_76 = vector.broadcast %shift_right_logical3A : i32 to vector<16xi32>
      %shift_right_logical3A_77 = arith.shrui %get3A_75, %shift_right_logical3A_76 : vector<16xi32>
      %add3A_78 = arith.constant 98 : i32
      %add3A_79 = vector.broadcast %add3A_78 : i32 to vector<16xi32>
      %add3A_80 = arith.addi %shift_right_logical3A_77, %add3A_79 : vector<16xi32>
      %and3A = arith.constant 255 : i32
      %and3A_81 = vector.broadcast %and3A : i32 to vector<16xi32>
      %and3A_82 = arith.andi %get3A_75, %and3A_81 : vector<16xi32>
      %add3A_83 = arith.constant 97 : i32
      %add3A_84 = vector.broadcast %add3A_83 : i32 to vector<16xi32>
      %add3A_85 = arith.addi %and3A_82, %add3A_84 : vector<16xi32>
      %gather3A = tpu.vector_load_idx %arg11[%add3A_80, %add3A_85] : memref<225x256xf32, #tpu.memory_space<vmem>>[vector<16xi32>, vector<16xi32>], vector<16xf32>,
      %add3A_86 = arith.constant 8 : i32
      %add3A_87 = vector.broadcast %add3A_86 : i32 to vector<16xi32>
      %add3A_88 = arith.addi %add3A_85, %add3A_87 : vector<16xi32>
      %gather3A_89 = tpu.vector_load_idx %arg11[%add3A_80, %add3A_88] : memref<225x256xf32, #tpu.memory_space<vmem>>[vector<16xi32>, vector<16xi32>], vector<16xf32>,
      %add3A_90 = arith.constant 4 : i32
      %add3A_91 = vector.broadcast %add3A_90 : i32 to vector<16xi32>
      %add3A_92 = arith.addi %add3A_80, %add3A_91 : vector<16xi32>
      %gather3A_93 = tpu.vector_load_idx %arg11[%add3A_92, %add3A_85] : memref<225x256xf32, #tpu.memory_space<vmem>>[vector<16xi32>, vector<16xi32>], vector<16xf32>,
      %add3A_94 = arith.constant 4 : i32
      %add3A_95 = vector.broadcast %add3A_94 : i32 to vector<16xi32>
      %add3A_96 = arith.addi %add3A_80, %add3A_95 : vector<16xi32>
      %add3A_97 = arith.constant 8 : i32
      %add3A_98 = vector.broadcast %add3A_97 : i32 to vector<16xi32>
      %add3A_99 = arith.addi %add3A_85, %add3A_98 : vector<16xi32>
      %gather3A_100 = tpu.vector_load_idx %arg11[%add3A_96, %add3A_99] : memref<225x256xf32, #tpu.memory_space<vmem>>[vector<16xi32>, vector<16xi32>], vector<16xf32>,
      %sub3A = arith.subf %gather3A_100, %gather3A_89 : vector<16xf32>
      %sub3A_101 = arith.subf %gather3A_93, %gather3A : vector<16xf32>
      %sub3A_102 = arith.subf %sub3A, %sub3A_101 : vector<16xf32>
      %mul3A_103 = arith.constant 5.000000e+00 : f32
      %mul3A_104 = vector.broadcast %mul3A_103 : f32 to vector<16xf32>
      %mul3A_105 = arith.mulf %sub3A_102, %mul3A_104 : vector<16xf32>
      %get3A_106 = arith.index_cast %multiple_of3A : i32 to index
      %get3A_107 = tpu.vector_load %arg15[%get3A_106] {strides = array<i32>} : memref<4096xi32, #tpu.memory_space<vmem>>, vector<16xi32>,
      %shift_right_logical3A_108 = arith.constant 8 : i32
      %shift_right_logical3A_109 = vector.broadcast %shift_right_logical3A_108 : i32 to vector<16xi32>
      %shift_right_logical3A_110 = arith.shrui %get3A_107, %shift_right_logical3A_109 : vector<16xi32>
      %and3A_111 = arith.constant 255 : i32
      %and3A_112 = vector.broadcast %and3A_111 : i32 to vector<16xi32>
      %and3A_113 = arith.andi %get3A_107, %and3A_112 : vector<16xi32>
      %gather3A_114 = tpu.vector_load_idx %arg12[%shift_right_logical3A_110, %and3A_113] : memref<200x200xf32, #tpu.memory_space<vmem>>[vector<16xi32>, vector<16xi32>], vector<16xf32>,
      %get3A_115 = arith.index_cast %multiple_of3A : i32 to index
      %get3A_116 = tpu.vector_load %arg17[%get3A_115] {strides = array<i32>} : memref<4096xf32, #tpu.memory_space<vmem>>, vector<16xf32>,
      %max3A = arith.constant 0.000000e+00 : f32
      %max3A_117 = vector.broadcast %max3A : f32 to vector<16xf32>
      %max3A_118 = arith.maximumf %mul3A_105, %max3A_117 : vector<16xf32>
      %min3A = arith.constant 1.000000e+02 : f32
      %min3A_119 = vector.broadcast %min3A : f32 to vector<16xf32>
      %min3A_120 = arith.minimumf %max3A_118, %min3A_119 : vector<16xf32>
      %add3A_121 = arith.addf %get3A_116, %min3A_120 : vector<16xf32>
      %mul3A_122 = arith.constant 1.000000e+02 : f32
      %mul3A_123 = vector.broadcast %mul3A_122 : f32 to vector<16xf32>
      %mul3A_124 = arith.mulf %gather3A_114, %mul3A_123 : vector<16xf32>
      %max3A_125 = arith.constant 0.000000e+00 : f32
      %max3A_126 = vector.broadcast %max3A_125 : f32 to vector<16xf32>
      %max3A_127 = arith.maximumf %mul3A_124, %max3A_126 : vector<16xf32>
      %min3A_128 = arith.constant 1.000000e+02 : f32
      %min3A_129 = vector.broadcast %min3A_128 : f32 to vector<16xf32>
      %min3A_130 = arith.minimumf %max3A_127, %min3A_129 : vector<16xf32>
      %add3A_131 = arith.addf %add3A_121, %min3A_130 : vector<16xf32>
      %swap3A = arith.index_cast %multiple_of3A : i32 to index
      %swap3A_132 = tpu.vector_load %arg17[%swap3A] {strides = array<i32>} : memref<4096xf32, #tpu.memory_space<vmem>>, vector<16xf32>,
      tpu.vector_store %arg17[%swap3A], %add3A_131 {strides = array<i32>} : memref<4096xf32, #tpu.memory_space<vmem>>, vector<16xf32>,
    }
    %scan3A_67 = arith.constant 256 : i32
    "tpu.region"() ({
      %run_scoped3A = tpu.sem_alloc : memref<!tpu.dma_semaphore, #tpu.memory_space<semaphore_mem>>
      %dma_start3A_68 = arith.constant 0 : i32
      %dma_start3A_69 = tpu.memref_slice %arg10[%add3A_36, %dma_start3A_68] : memref<64x4096xf32, #tpu.memory_space<hbm>> -> memref<1x4096xf32, #tpu.memory_space<hbm>>
      %dma_start3A_70 = tpu.memref_squeeze %dma_start3A_69 : memref<1x4096xf32, #tpu.memory_space<hbm>> -> memref<4096xf32, #tpu.memory_space<hbm>>
      %dma_start3A_71 = arith.constant 0 : i32
      %dma_start3A_72 = tpu.memref_slice %arg10[%add3A_36, %dma_start3A_71] : memref<64x4096xf32, #tpu.memory_space<hbm>> -> memref<1x4096xf32, #tpu.memory_space<hbm>>
      %dma_start3A_73 = tpu.memref_squeeze %dma_start3A_72 : memref<1x4096xf32, #tpu.memory_space<hbm>> -> memref<4096xf32, #tpu.memory_space<hbm>>
      tpu.enqueue_dma source(%arg17 : memref<4096xf32, #tpu.memory_space<vmem>>) target(%dma_start3A_73 : memref<4096xf32, #tpu.memory_space<hbm>>) target_semaphore(%run_scoped3A : memref<!tpu.dma_semaphore, #tpu.memory_space<semaphore_mem>>)
      %dma_wait3A_74 = arith.constant 0 : i32
      %dma_wait3A_75 = tpu.memref_slice %arg10[%add3A_36, %dma_wait3A_74] : memref<64x4096xf32, #tpu.memory_space<hbm>> -> memref<1x4096xf32, #tpu.memory_space<hbm>>
      %dma_wait3A_76 = tpu.memref_squeeze %dma_wait3A_75 : memref<1x4096xf32, #tpu.memory_space<hbm>> -> memref<4096xf32, #tpu.memory_space<hbm>>
      %dma_wait3A_77 = arith.constant 0 : i32
      %dma_wait3A_78 = tpu.memref_slice %arg10[%add3A_36, %dma_wait3A_77] : memref<64x4096xf32, #tpu.memory_space<hbm>> -> memref<1x4096xf32, #tpu.memory_space<hbm>>
      %dma_wait3A_79 = tpu.memref_squeeze %dma_wait3A_78 : memref<1x4096xf32, #tpu.memory_space<hbm>> -> memref<4096xf32, #tpu.memory_space<hbm>>
      tpu.wait_dma2 semaphore(%run_scoped3A : memref<!tpu.dma_semaphore, #tpu.memory_space<semaphore_mem>>) src(%arg17 : memref<4096xf32, #tpu.memory_space<vmem>>) dst(%dma_wait3A_79 : memref<4096xf32, #tpu.memory_space<hbm>>)
      tpu.yield
    }) : () -> ()
    return
  }
}

module attributes {stable_mosaic.version = 14 : i64} {
  func.func @_sat_body(%arg0: i32, %arg1: memref<225x200xf32, #tpu.memory_space<vmem>>, %arg2: memref<200x256xf32, #tpu.memory_space<vmem>>, %arg3: memref<1x200x200xf32, #tpu.memory_space<vmem>>, %arg4: memref<1x200x200xf32, #tpu.memory_space<vmem>>, %arg5: memref<1x225x256xf32, #tpu.memory_space<vmem>>, %arg6: memref<1x225x256xf32, #tpu.memory_space<vmem>>, %arg7: memref<1x225x256xf32, #tpu.memory_space<vmem>>) attributes {dimension_semantics = [#tpu.dimension_semantics<arbitrary>], iteration_bounds = array<i64: 64>, scalar_prefetch = 0 : i64, scratch_operands = 0 : i64, tpu.core_type = #tpu.core_type<tc>, window_params = [{pipeline_mode = #tpu.pipeline_mode<synchronous>, transform_indices = @transform_0, window_bounds = array<i64: 225, 200>}, {pipeline_mode = #tpu.pipeline_mode<synchronous>, transform_indices = @transform_1, window_bounds = array<i64: 200, 256>}, {transform_indices = @transform_2, window_bounds = array<i64: 1, 200, 200>}, {transform_indices = @transform_3, window_bounds = array<i64: 1, 200, 200>}, {transform_indices = @transform_4, window_bounds = array<i64: 1, 225, 256>}, {transform_indices = @transform_5, window_bounds = array<i64: 1, 225, 256>}, {transform_indices = @transform_6, window_bounds = array<i64: 1, 225, 256>}]} {
    %get3A = arith.constant 0 : index
    %get3A_0 = arith.constant 0 : index
    %get3A_1 = vector.load %arg1[%get3A, %get3A_0] : memref<225x200xf32, #tpu.memory_space<vmem>>, vector<225x200xf32>
    %convert_element_type3A = arith.truncf %get3A_1 : vector<225x200xf32> to vector<225x200xbf16>
    %get3A_2 = arith.constant 0 : index
    %get3A_3 = arith.constant 0 : index
    %get3A_4 = vector.load %arg2[%get3A_2, %get3A_3] : memref<200x256xf32, #tpu.memory_space<vmem>>, vector<200x256xf32>
    %get3A_5 = arith.constant 0 : index
    %get3A_6 = arith.constant 0 : index
    %get3A_7 = arith.constant 0 : index
    %get3A_8 = vector.load %arg3[%get3A_5, %get3A_6, %get3A_7] : memref<1x200x200xf32, #tpu.memory_space<vmem>>, vector<1x200x200xf32>
    %get3A_9 = vector.shape_cast %get3A_8 : vector<1x200x200xf32> to vector<200x200xf32>
    %get3A_10 = arith.constant 0 : index
    %get3A_11 = arith.constant 0 : index
    %get3A_12 = arith.constant 0 : index
    %get3A_13 = vector.load %arg4[%get3A_10, %get3A_11, %get3A_12] : memref<1x200x200xf32, #tpu.memory_space<vmem>>, vector<1x200x200xf32>
    %get3A_14 = vector.shape_cast %get3A_13 : vector<1x200x200xf32> to vector<200x200xf32>
    %mul3A = arith.mulf %get3A_9, %get3A_14 : vector<200x200xf32>
    %eq3A = arith.constant 0.000000e+00 : f32
    %eq3A_15 = vector.broadcast %eq3A : f32 to vector<200x200xf32>
    %eq3A_16 = arith.cmpf oeq, %get3A_14, %eq3A_15 : vector<200x200xf32>
    %convert_element_type3A_17 = arith.extui %eq3A_16 : vector<200x200xi1> to vector<200x200xi32>
    %convert_element_type3A_18 = arith.sitofp %convert_element_type3A_17 : vector<200x200xi32> to vector<200x200xf32>
    %concatenate3A = tpu.concatenate %get3A_9, %mul3A, %convert_element_type3A_18 in 1 : vector<200x200xf32>, vector<200x200xf32>, vector<200x200xf32> -> vector<200x600xf32>
    %convert_element_type3A_19 = arith.truncf %concatenate3A : vector<200x600xf32> to vector<200x600xbf16>
    %dot_general3A = arith.constant dense<0.000000e+00> : vector<225x600xf32>
    %dot_general3A_20 = tpu.matmul %convert_element_type3A, %convert_element_type3A_19, %dot_general3A {dimension_numbers = #tpu.dot_dimension_numbers<[1], [0], [0], [1], [0, 0, 1, 1], [], []>, transpose_lhs_hint = false} : vector<225x200xbf16>, vector<200x600xbf16>, vector<225x600xf32> -> vector<225x600xf32>
    %slice3A = vector.extract_strided_slice %dot_general3A_20 {offsets = [0, 0], sizes = [225, 200], strides = [1, 1]} : vector<225x600xf32> to vector<225x200xf32>
    %slice3A_21 = vector.extract_strided_slice %dot_general3A_20 {offsets = [0, 200], sizes = [225, 200], strides = [1, 1]} : vector<225x600xf32> to vector<225x200xf32>
    %slice3A_22 = vector.extract_strided_slice %dot_general3A_20 {offsets = [0, 400], sizes = [225, 200], strides = [1, 1]} : vector<225x600xf32> to vector<225x200xf32>
    %concatenate3A_23 = tpu.concatenate %slice3A, %slice3A_21, %slice3A_22 in 0 : vector<225x200xf32>, vector<225x200xf32>, vector<225x200xf32> -> vector<675x200xf32>
    %convert_element_type3A_24 = arith.truncf %concatenate3A_23 : vector<675x200xf32> to vector<675x200xbf16>
    %convert_element_type3A_25 = arith.extf %convert_element_type3A_24 : vector<675x200xbf16> to vector<675x200xf32>
    %sub3A = arith.subf %concatenate3A_23, %convert_element_type3A_25 : vector<675x200xf32>
    %convert_element_type3A_26 = arith.truncf %sub3A : vector<675x200xf32> to vector<675x200xbf16>
    %convert_element_type3A_27 = arith.truncf %get3A_4 : vector<200x256xf32> to vector<200x256xbf16>
    %dot_general3A_28 = arith.constant dense<0.000000e+00> : vector<675x256xf32>
    %dot_general3A_29 = tpu.matmul %convert_element_type3A_24, %convert_element_type3A_27, %dot_general3A_28 {dimension_numbers = #tpu.dot_dimension_numbers<[1], [0], [0], [1], [0, 0, 1, 1], [], []>, transpose_lhs_hint = false} : vector<675x200xbf16>, vector<200x256xbf16>, vector<675x256xf32> -> vector<675x256xf32>
    %dot_general3A_30 = arith.constant dense<0.000000e+00> : vector<675x256xf32>
    %dot_general3A_31 = tpu.matmul %convert_element_type3A_26, %convert_element_type3A_27, %dot_general3A_30 {dimension_numbers = #tpu.dot_dimension_numbers<[1], [0], [0], [1], [0, 0, 1, 1], [], []>, transpose_lhs_hint = false} : vector<675x200xbf16>, vector<200x256xbf16>, vector<675x256xf32> -> vector<675x256xf32>
    %add3A = arith.addf %dot_general3A_29, %dot_general3A_31 : vector<675x256xf32>
    %slice3A_32 = vector.extract_strided_slice %add3A {offsets = [0, 0], sizes = [225, 256], strides = [1, 1]} : vector<675x256xf32> to vector<225x256xf32>
    %swap3A = arith.constant 0 : index
    %swap3A_33 = arith.constant 0 : index
    %swap3A_34 = arith.constant 0 : index
    %swap3A_35 = vector.load %arg5[%swap3A, %swap3A_33, %swap3A_34] : memref<1x225x256xf32, #tpu.memory_space<vmem>>, vector<1x225x256xf32>
    %swap3A_36 = vector.shape_cast %swap3A_35 : vector<1x225x256xf32> to vector<225x256xf32>
    %swap3A_37 = vector.shape_cast %slice3A_32 : vector<225x256xf32> to vector<1x225x256xf32>
    tpu.vector_store %arg5[%swap3A, %swap3A_33, %swap3A_34], %swap3A_37 {strides = array<i32>} : memref<1x225x256xf32, #tpu.memory_space<vmem>>, vector<1x225x256xf32>,
    %slice3A_38 = vector.extract_strided_slice %add3A {offsets = [225, 0], sizes = [225, 256], strides = [1, 1]} : vector<675x256xf32> to vector<225x256xf32>
    %swap3A_39 = arith.constant 0 : index
    %swap3A_40 = arith.constant 0 : index
    %swap3A_41 = arith.constant 0 : index
    %swap3A_42 = vector.load %arg6[%swap3A_39, %swap3A_40, %swap3A_41] : memref<1x225x256xf32, #tpu.memory_space<vmem>>, vector<1x225x256xf32>
    %swap3A_43 = vector.shape_cast %swap3A_42 : vector<1x225x256xf32> to vector<225x256xf32>
    %swap3A_44 = vector.shape_cast %slice3A_38 : vector<225x256xf32> to vector<1x225x256xf32>
    tpu.vector_store %arg6[%swap3A_39, %swap3A_40, %swap3A_41], %swap3A_44 {strides = array<i32>} : memref<1x225x256xf32, #tpu.memory_space<vmem>>, vector<1x225x256xf32>,
    %slice3A_45 = vector.extract_strided_slice %add3A {offsets = [450, 0], sizes = [225, 256], strides = [1, 1]} : vector<675x256xf32> to vector<225x256xf32>
    %swap3A_46 = arith.constant 0 : index
    %swap3A_47 = arith.constant 0 : index
    %swap3A_48 = arith.constant 0 : index
    %swap3A_49 = vector.load %arg7[%swap3A_46, %swap3A_47, %swap3A_48] : memref<1x225x256xf32, #tpu.memory_space<vmem>>, vector<1x225x256xf32>
    %swap3A_50 = vector.shape_cast %swap3A_49 : vector<1x225x256xf32> to vector<225x256xf32>
    %swap3A_51 = vector.shape_cast %slice3A_45 : vector<225x256xf32> to vector<1x225x256xf32>
    tpu.vector_store %arg7[%swap3A_46, %swap3A_47, %swap3A_48], %swap3A_51 {strides = array<i32>} : memref<1x225x256xf32, #tpu.memory_space<vmem>>, vector<1x225x256xf32>,
    return
  }
  func.func @transform_0(%arg0: i32) -> (i32, i32) {
    %c0_i32 = arith.constant 0 : i32
    %c0_i32_0 = arith.constant 0 : i32
    %c0_i32_1 = arith.constant 0 : i32
    return %c0_i32, %c0_i32_0 : i32, i32
  }
  func.func @transform_1(%arg0: i32) -> (i32, i32) {
    %c0_i32 = arith.constant 0 : i32
    %c0_i32_0 = arith.constant 0 : i32
    %c0_i32_1 = arith.constant 0 : i32
    return %c0_i32, %c0_i32_0 : i32, i32
  }
  func.func @transform_2(%arg0: i32) -> (i32, i32, i32) {
    %c0_i32 = arith.constant 0 : i32
    %c0_i32_0 = arith.constant 0 : i32
    %c0_i32_1 = arith.constant 0 : i32
    return %arg0, %c0_i32, %c0_i32_0 : i32, i32, i32
  }
  func.func @transform_3(%arg0: i32) -> (i32, i32, i32) {
    %c0_i32 = arith.constant 0 : i32
    %c0_i32_0 = arith.constant 0 : i32
    %c0_i32_1 = arith.constant 0 : i32
    return %arg0, %c0_i32, %c0_i32_0 : i32, i32, i32
  }
  func.func @transform_4(%arg0: i32) -> (i32, i32, i32) {
    %c0_i32 = arith.constant 0 : i32
    %c0_i32_0 = arith.constant 0 : i32
    %c0_i32_1 = arith.constant 0 : i32
    return %arg0, %c0_i32, %c0_i32_0 : i32, i32, i32
  }
  func.func @transform_5(%arg0: i32) -> (i32, i32, i32) {
    %c0_i32 = arith.constant 0 : i32
    %c0_i32_0 = arith.constant 0 : i32
    %c0_i32_1 = arith.constant 0 : i32
    return %arg0, %c0_i32, %c0_i32_0 : i32, i32, i32
  }
  func.func @transform_6(%arg0: i32) -> (i32, i32, i32) {
    %c0_i32 = arith.constant 0 : i32
    %c0_i32_0 = arith.constant 0 : i32
    %c0_i32_1 = arith.constant 0 : i32
    return %arg0, %c0_i32, %c0_i32_0 : i32, i32, i32
  }
}

module attributes {stable_mosaic.version = 14 : i64} {
  func.func @_prep_body(%arg0: i32, %arg1: memref<8x4096xf32, #tpu.memory_space<vmem>>, %arg2: memref<8x4096xf32, #tpu.memory_space<vmem>>, %arg3: memref<8x4096xi32, #tpu.memory_space<vmem>>, %arg4: memref<8x4096xi32, #tpu.memory_space<vmem>>, %arg5: memref<8x4096xi32, #tpu.memory_space<vmem>>, %arg6: memref<8x4096xf32, #tpu.memory_space<vmem>>) attributes {dimension_semantics = [#tpu.dimension_semantics<arbitrary>], iteration_bounds = array<i64: 8>, scalar_prefetch = 0 : i64, scratch_operands = 0 : i64, tpu.core_type = #tpu.core_type<tc>, window_params = [{transform_indices = @transform_0, window_bounds = array<i64: 8, 4096>}, {transform_indices = @transform_1, window_bounds = array<i64: 8, 4096>}, {transform_indices = @transform_2, window_bounds = array<i64: 8, 4096>}, {transform_indices = @transform_3, window_bounds = array<i64: 8, 4096>}, {transform_indices = @transform_4, window_bounds = array<i64: 8, 4096>}, {transform_indices = @transform_5, window_bounds = array<i64: 8, 4096>}]} {
    %get3A = arith.constant 0 : index
    %get3A_0 = arith.constant 0 : index
    %get3A_1 = vector.load %arg1[%get3A, %get3A_0] : memref<8x4096xf32, #tpu.memory_space<vmem>>, vector<8x4096xf32>
    %get3A_2 = arith.constant 0 : index
    %get3A_3 = arith.constant 0 : index
    %get3A_4 = vector.load %arg2[%get3A_2, %get3A_3] : memref<8x4096xf32, #tpu.memory_space<vmem>>, vector<8x4096xf32>
    %mul3A = arith.constant 2.000000e+00 : f32
    %mul3A_5 = vector.broadcast %mul3A : f32 to vector<8x4096xf32>
    %mul3A_6 = arith.mulf %get3A_1, %mul3A_5 : vector<8x4096xf32>
    %floor3A = math.floor %mul3A_6 : vector<8x4096xf32>
    %convert_element_type3A = arith.fptosi %floor3A : vector<8x4096xf32> to vector<8x4096xi32>
    %mul3A_7 = arith.constant 2.000000e+00 : f32
    %mul3A_8 = vector.broadcast %mul3A_7 : f32 to vector<8x4096xf32>
    %mul3A_9 = arith.mulf %get3A_4, %mul3A_8 : vector<8x4096xf32>
    %floor3A_10 = math.floor %mul3A_9 : vector<8x4096xf32>
    %convert_element_type3A_11 = arith.fptosi %floor3A_10 : vector<8x4096xf32> to vector<8x4096xi32>
    %jit3A = arith.constant -106 : i32
    %jit3A_12 = arith.constant 106 : i32
    %max3A = vector.broadcast %jit3A : i32 to vector<8x4096xi32>
    %max3A_13 = arith.maxsi %max3A, %convert_element_type3A : vector<8x4096xi32>
    %min3A = vector.broadcast %jit3A_12 : i32 to vector<8x4096xi32>
    %min3A_14 = arith.minsi %min3A, %max3A_13 : vector<8x4096xi32>
    %add3A = arith.constant 12 : i32
    %add3A_15 = vector.broadcast %add3A : i32 to vector<8x4096xi32>
    %add3A_16 = arith.addi %min3A_14, %add3A_15 : vector<8x4096xi32>
    %mul3A_17 = arith.constant 256 : i32
    %mul3A_18 = vector.broadcast %mul3A_17 : i32 to vector<8x4096xi32>
    %mul3A_19 = arith.muli %add3A_16, %mul3A_18 : vector<8x4096xi32>
    %jit3A_20 = arith.constant -109 : i32
    %jit3A_21 = arith.constant 107 : i32
    %max3A_22 = vector.broadcast %jit3A_20 : i32 to vector<8x4096xi32>
    %max3A_23 = arith.maxsi %max3A_22, %convert_element_type3A_11 : vector<8x4096xi32>
    %min3A_24 = vector.broadcast %jit3A_21 : i32 to vector<8x4096xi32>
    %min3A_25 = arith.minsi %min3A_24, %max3A_23 : vector<8x4096xi32>
    %add3A_26 = arith.constant 16 : i32
    %add3A_27 = vector.broadcast %add3A_26 : i32 to vector<8x4096xi32>
    %add3A_28 = arith.addi %min3A_25, %add3A_27 : vector<8x4096xi32>
    %add3A_29 = arith.addi %mul3A_19, %add3A_28 : vector<8x4096xi32>
    %swap3A = arith.constant 0 : index
    %swap3A_30 = arith.constant 0 : index
    %swap3A_31 = vector.load %arg3[%swap3A, %swap3A_30] : memref<8x4096xi32, #tpu.memory_space<vmem>>, vector<8x4096xi32>
    tpu.vector_store %arg3[%swap3A, %swap3A_30], %add3A_29 {strides = array<i32>} : memref<8x4096xi32, #tpu.memory_space<vmem>>, vector<8x4096xi32>,
    %mul3A_32 = arith.constant 256 : i32
    %mul3A_33 = vector.broadcast %mul3A_32 : i32 to vector<8x4096xi32>
    %mul3A_34 = arith.muli %add3A_16, %mul3A_33 : vector<8x4096xi32>
    %add3A_35 = arith.constant 20 : i32
    %add3A_36 = vector.broadcast %add3A_35 : i32 to vector<8x4096xi32>
    %add3A_37 = arith.addi %convert_element_type3A_11, %add3A_36 : vector<8x4096xi32>
    %jit3A_38 = arith.constant -109 : i32
    %jit3A_39 = arith.constant 107 : i32
    %max3A_40 = vector.broadcast %jit3A_38 : i32 to vector<8x4096xi32>
    %max3A_41 = arith.maxsi %max3A_40, %add3A_37 : vector<8x4096xi32>
    %min3A_42 = vector.broadcast %jit3A_39 : i32 to vector<8x4096xi32>
    %min3A_43 = arith.minsi %min3A_42, %max3A_41 : vector<8x4096xi32>
    %add3A_44 = arith.constant 16 : i32
    %add3A_45 = vector.broadcast %add3A_44 : i32 to vector<8x4096xi32>
    %add3A_46 = arith.addi %min3A_43, %add3A_45 : vector<8x4096xi32>
    %add3A_47 = arith.addi %mul3A_34, %add3A_46 : vector<8x4096xi32>
    %swap3A_48 = arith.constant 0 : index
    %swap3A_49 = arith.constant 0 : index
    %swap3A_50 = vector.load %arg4[%swap3A_48, %swap3A_49] : memref<8x4096xi32, #tpu.memory_space<vmem>>, vector<8x4096xi32>
    tpu.vector_store %arg4[%swap3A_48, %swap3A_49], %add3A_47 {strides = array<i32>} : memref<8x4096xi32, #tpu.memory_space<vmem>>, vector<8x4096xi32>,
    %add3A_51 = arith.constant 4.975000e+01 : f32
    %add3A_52 = vector.broadcast %add3A_51 : f32 to vector<8x4096xf32>
    %add3A_53 = arith.addf %get3A_1, %add3A_52 : vector<8x4096xf32>
    %mul3A_54 = arith.constant 2.000000e+00 : f32
    %mul3A_55 = vector.broadcast %mul3A_54 : f32 to vector<8x4096xf32>
    %mul3A_56 = arith.mulf %add3A_53, %mul3A_55 : vector<8x4096xf32>
    %convert_element_type3A_57 = arith.fptosi %mul3A_56 : vector<8x4096xf32> to vector<8x4096xi32>
    %jit3A_58 = arith.constant 0 : i32
    %jit3A_59 = arith.constant 199 : i32
    %max3A_60 = vector.broadcast %jit3A_58 : i32 to vector<8x4096xi32>
    %max3A_61 = arith.maxsi %max3A_60, %convert_element_type3A_57 : vector<8x4096xi32>
    %min3A_62 = vector.broadcast %jit3A_59 : i32 to vector<8x4096xi32>
    %min3A_63 = arith.minsi %min3A_62, %max3A_61 : vector<8x4096xi32>
    %add3A_64 = arith.constant 4.975000e+01 : f32
    %add3A_65 = vector.broadcast %add3A_64 : f32 to vector<8x4096xf32>
    %add3A_66 = arith.addf %get3A_4, %add3A_65 : vector<8x4096xf32>
    %mul3A_67 = arith.constant 2.000000e+00 : f32
    %mul3A_68 = vector.broadcast %mul3A_67 : f32 to vector<8x4096xf32>
    %mul3A_69 = arith.mulf %add3A_66, %mul3A_68 : vector<8x4096xf32>
    %convert_element_type3A_70 = arith.fptosi %mul3A_69 : vector<8x4096xf32> to vector<8x4096xi32>
    %jit3A_71 = arith.constant 0 : i32
    %jit3A_72 = arith.constant 199 : i32
    %max3A_73 = vector.broadcast %jit3A_71 : i32 to vector<8x4096xi32>
    %max3A_74 = arith.maxsi %max3A_73, %convert_element_type3A_70 : vector<8x4096xi32>
    %min3A_75 = vector.broadcast %jit3A_72 : i32 to vector<8x4096xi32>
    %min3A_76 = arith.minsi %min3A_75, %max3A_74 : vector<8x4096xi32>
    %mul3A_77 = arith.constant 256 : i32
    %mul3A_78 = vector.broadcast %mul3A_77 : i32 to vector<8x4096xi32>
    %mul3A_79 = arith.muli %min3A_63, %mul3A_78 : vector<8x4096xi32>
    %add3A_80 = arith.addi %mul3A_79, %min3A_76 : vector<8x4096xi32>
    %swap3A_81 = arith.constant 0 : index
    %swap3A_82 = arith.constant 0 : index
    %swap3A_83 = vector.load %arg5[%swap3A_81, %swap3A_82] : memref<8x4096xi32, #tpu.memory_space<vmem>>, vector<8x4096xi32>
    tpu.vector_store %arg5[%swap3A_81, %swap3A_82], %add3A_80 {strides = array<i32>} : memref<8x4096xi32, #tpu.memory_space<vmem>>, vector<8x4096xi32>,
    %mul3A_84 = arith.mulf %get3A_1, %get3A_1 : vector<8x4096xf32>
    %mul3A_85 = arith.mulf %get3A_4, %get3A_4 : vector<8x4096xf32>
    %add3A_86 = arith.addf %mul3A_84, %mul3A_85 : vector<8x4096xf32>
    %sqrt3A = math.sqrt %add3A_86 : vector<8x4096xf32>
    %mul3A_87 = arith.constant 2.000000e+00 : f32
    %mul3A_88 = vector.broadcast %mul3A_87 : f32 to vector<8x4096xf32>
    %mul3A_89 = arith.mulf %sqrt3A, %mul3A_88 : vector<8x4096xf32>
    %swap3A_90 = arith.constant 0 : index
    %swap3A_91 = arith.constant 0 : index
    %swap3A_92 = vector.load %arg6[%swap3A_90, %swap3A_91] : memref<8x4096xf32, #tpu.memory_space<vmem>>, vector<8x4096xf32>
    tpu.vector_store %arg6[%swap3A_90, %swap3A_91], %mul3A_89 {strides = array<i32>} : memref<8x4096xf32, #tpu.memory_space<vmem>>, vector<8x4096xf32>,
    return
  }
  func.func @transform_0(%arg0: i32) -> (i32, i32) {
    %c0_i32 = arith.constant 0 : i32
    %c0_i32_0 = arith.constant 0 : i32
    return %arg0, %c0_i32 : i32, i32
  }
  func.func @transform_1(%arg0: i32) -> (i32, i32) {
    %c0_i32 = arith.constant 0 : i32
    %c0_i32_0 = arith.constant 0 : i32
    return %arg0, %c0_i32 : i32, i32
  }
  func.func @transform_2(%arg0: i32) -> (i32, i32) {
    %c0_i32 = arith.constant 0 : i32
    %c0_i32_0 = arith.constant 0 : i32
    return %arg0, %c0_i32 : i32, i32
  }
  func.func @transform_3(%arg0: i32) -> (i32, i32) {
    %c0_i32 = arith.constant 0 : i32
    %c0_i32_0 = arith.constant 0 : i32
    return %arg0, %c0_i32 : i32, i32
  }
  func.func @transform_4(%arg0: i32) -> (i32, i32) {
    %c0_i32 = arith.constant 0 : i32
    %c0_i32_0 = arith.constant 0 : i32
    return %arg0, %c0_i32 : i32, i32
  }
  func.func @transform_5(%arg0: i32) -> (i32, i32) {
    %c0_i32 = arith.constant 0 : i32
    %c0_i32_0 = arith.constant 0 : i32
    return %arg0, %c0_i32 : i32, i32
  }
}

</mosaic_0001>

<sc_bundles>
// kernel: kernel.5.cloned.1.call-start
scs
__scs_entry_jumppad:
0x0: {  	(pc) =	sbr.rel $0x88, $3  }
0x1: {  	(tag) =	ssettag $0x0;
	lr =	simm.s32 $0x1  }
0x2: {  	[smem:$0x3F9D] =	sst lr;
	_ =	strace $0xD0000000  }
0x3: {  	_ = 	snop  }
0x4: {  	_ = 	snop  }
0x5: {  	_ = 	snop  }
0x6: {  	_ = 	snop  }
0x7: {  	_ = 	snop  }
__scs_overlays_trampoline_lowered:
0x8: {  	[smem:$0x3FAC] =	sst s0  }
0x9: {  	[smem:$0x3FAD] =	sst s1  }
0xa: {  	[smem:$0x3FAE] =	sst s2  }
0xb: {  	[smem:$0x3FAF] =	sst s3  }
0xc: {  	[smem:$0x3FB0] =	sst s4  }
0xd: {  	[smem:$0x3FB1] =	sst s5  }
0xe: {  	[smem:$0x3FB2] =	sst s6  }
0xf: {  	[smem:$0x3FB3] =	sst s7  }
0x10: {  	[smem:$0x3FB4] =	sst s8  }
0x11: {  	[smem:$0x3FB5] =	sst s9;
	s0 =	simm.s32 @!p0 $0x0  }
0x12: {  	s1 =	sld [smem:$0x3F9B];
	s0 =	simm.s32 @p0 $0x1  }
0x13: {  	[smem:$0x3FB6] =	sst s0;
	s0 =	simm.s32 @!p1 $0x0  }
0x14: {  	s2 =	sld [smem:$0x3F9A];
	s0 =	simm.s32 @p1 $0x1  }
0x15: {  	[smem:$0x3FB7] =	sst s0;
	s0 =	simm.s32 @!p2 $0x0  }
0x16: {  	s3 =	sld [smem:$0x3FDB];
	s0 =	simm.s32 @p2 $0x1  }
0x17: {  	s4 =	simm.s32 $0x1BF5;
	[smem:$0x3FB9] =	sst s0  }
0x18: {  	s0 =	sld [smem:$0x3F9C];
	_ =	swait.ge [sflag:s4], $0x0  }
0x19: {  	s7 =	sld [smem:$0x3F9D]  }
0x1a: {  	s8 =	sadd.s32 $0xFFFFE003, lr  }
0x1b: {  	s9 =	sadd.s32 $0xFFFFFEF7, lr;
	s5 =	simm.s32 $0xFFFFFFFF;
	p2 =	slt.u32 s8, $0xFFFFF086  }
0x1c: {  	p1 =	slt.u32 s9, $0xF7A;
	s5 =	simm.s32 @!p2 $0x0  }
0x1d: {  	s5 =	simm.s32 @p1 $0x1;
	p0 =	seq.s32 s7, s2  }
0x1e: {  	s7 =	smul.u32 @!p0 $0xF7A, s2;
	p2 =	seq.s32 @!p0 s5, $0x0  }
0x1f: {  	s9 =	smul.u32 $0xF7A, s1;
	s8 =	simm.s32 @!p0 $0x1BF5;
	p2 =	por !p2, p0  }
0x20: {  	[sflag:s8] =	ssyncset.s32 @!p0 $0xFFFFF086;
	s6 =	sadd.s32 @!p0 s3, s7;
	s7 =	simm.s32 @!p0 $0x108  }
0x21: {  	s3 =	sadd.s32 s3, s9;
	s6 =	sadd.s32 @!p0 $0x88, s6;
	s7 =	simm.s32 @p2 $0x1082  }
0x22: {  	[simem:s7], [sflag:s8] =	dma.local @!p0 [hbm:s6], $0xF7A  }
0x23: {  	s9 =	sor.u32 $0xD0000000, s2;
	s6 =	simm.s32 $0x108;
	_ =	swait.ge @!p0 [sflag:s8], $0x0  }
0x24: {  	s3 =	sadd.s32 $0x88, s3;
	s6 =	simm.s32 @!p1 $0x1082;
	[sflag:s4] =	ssyncset.s32 $0xFFFFF086  }
0x25: {  	[simem:s6], [sflag:s4] =	dma.local [hbm:s3], $0xF7A  }
0x26: {  	[smem:$0x3F9D] =	sst s1;
	(tag) =	ssettag s2;
	_ =	strace s9  }
0x27: {  	s1 =	sld [smem:$0x3FAD]  }
0x28: {  	s2 =	sld [smem:$0x3FAE]  }
0x29: {  	s4 =	sld [smem:$0x3FB0]  }
0x2a: {  	p0 =	seq.s32 s5, $0x0;
	s5 =	sld [smem:$0x3FB1]  }
0x2b: {  	s6 =	sld [smem:$0x3FB2]  }
0x2c: {  	s7 =	sld [smem:$0x3FB3]  }
0x2d: {  	s3 =	simm.s32 $0x108;
	s8 =	sld [smem:$0x3FB4]  }
0x2e: {  	s3 =	simm.s32 @!p0 $0x1082;
	s9 =	sld [smem:$0x3FB5]  }
0x2f: {  	lr =	sadd.s32 s0, s3;
	s0 =	sld [smem:$0x3FAC]  }
0x30: {  	s3 =	sld [smem:$0x3FAF]  }
0x31: {  	[smem:$0x3FB8] =	sst s10  }
0x32: {  	s10 =	sld [smem:$0x3FB6];
	_ =	sdelay $0x3  }
0x33: {  	p0 =	seq.s32 s10, $0x1;
	s10 =	sld [smem:$0x3FB8];
	_ =	sdelay $0x3  }
0x34: {  	[smem:$0x3FB8] =	sst s10  }
0x35: {  	s10 =	sld [smem:$0x3FB7];
	_ =	sdelay $0x3  }
0x36: {  	p1 =	seq.s32 s10, $0x1;
	s10 =	sld [smem:$0x3FB8];
	_ =	sdelay $0x3  }
0x37: {  	[smem:$0x3FB8] =	sst s10  }
0x38: {  	s10 =	sld [smem:$0x3FB9]  }
0x39: {  	_ = 	snop;
	(pc) =	sbr.ind lr, $3  }
0x3a: {  	_ = 	snop  }
0x3b: {  	_ = 	snop  }
0x3c: {  	p2 =	seq.s32 s10, $0x1;
	s10 =	sld [smem:$0x3FB8]  }
0x3d: {  	_ =	shalt  }
0x3e: {  	_ =	shalt  }
0x3f: {  	_ =	shalt  }
0x40: {  	_ =	shalt  }
0x41: {  	_ =	shalt  }
0x42: {  	_ =	shalt  }
0x43: {  	_ =	shalt  }
0x44: {  	_ =	shalt  }
0x45: {  	_ =	shalt  }
0x46: {  	_ =	shalt  }
0x47: {  	_ =	shalt  }
0x48: {  	_ =	shalt  }
0x49: {  	_ =	shalt  }
0x4a: {  	_ =	shalt  }
0x4b: {  	_ =	shalt  }
0x4c: {  	_ =	shalt  }
0x4d: {  	_ =	shalt  }
0x4e: {  	_ =	shalt  }
0x4f: {  	_ =	shalt  }
0x50: {  	_ =	shalt  }
0x51: {  	_ =	shalt  }
0x52: {  	_ =	shalt  }
0x53: {  	_ =	shalt  }
0x54: {  	_ =	shalt  }
0x55: {  	_ =	shalt  }
0x56: {  	_ =	shalt  }
0x57: {  	_ =	shalt  }
0x58: {  	_ =	shalt  }
0x59: {  	_ =	shalt  }
0x5a: {  	_ =	shalt  }
0x5b: {  	_ =	shalt  }
0x5c: {  	_ =	shalt  }
0x5d: {  	_ =	shalt  }
0x5e: {  	_ =	shalt  }
0x5f: {  	_ =	shalt  }
0x60: {  	_ =	shalt  }
0x61: {  	_ =	shalt  }
0x62: {  	_ =	shalt  }
0x63: {  	_ =	shalt  }
0x64: {  	_ =	shalt  }
0x65: {  	_ =	shalt  }
0x66: {  	_ =	shalt  }
0x67: {  	_ =	shalt  }
0x68: {  	_ =	shalt  }
0x69: {  	_ =	shalt  }
0x6a: {  	_ =	shalt  }
0x6b: {  	_ =	shalt  }
0x6c: {  	_ =	shalt  }
0x6d: {  	_ =	shalt  }
0x6e: {  	_ =	shalt  }
0x6f: {  	_ =	shalt  }
0x70: {  	_ =	shalt  }
0x71: {  	_ =	shalt  }
0x72: {  	_ =	shalt  }
0x73: {  	_ =	shalt  }
0x74: {  	_ =	shalt  }
0x75: {  	_ =	shalt  }
0x76: {  	_ =	shalt  }
0x77: {  	_ =	shalt  }
0x78: {  	_ =	shalt  }
0x79: {  	_ =	shalt  }
0x7a: {  	_ =	shalt  }
0x7b: {  	_ =	shalt  }
0x7c: {  	_ =	shalt  }
0x7d: {  	_ =	shalt  }
0x7e: {  	_ =	shalt  }
0x7f: {  	_ =	shalt  }
0x80: {  	_ =	shalt  }
0x81: {  	_ =	shalt  }
0x82: {  	_ =	shalt  }
0x83: {  	_ =	shalt  }
0x84: {  	_ =	shalt  }
0x85: {  	_ =	shalt  }
0x86: {  	_ =	shalt  }
0x87: {  	_ =	shalt  }
.Lfunc_end0:
.L_simem_size_0:
called_computation_lowered:
.L_overlay_start_0:
0x88: {  	s2 =	sld [smem:$0x3FD9]  }
0x89: {  	s3 =	sld [smem:$0x3FFE];
	_ =	sdelay $0x1  }
0x8a: {  	s1 =	srdreg.scid  }
0x8b: {  	s0 =	sand.u32 $0x1, s1  }
0x8c: {  	s17 =	sshll.u32 s0, $0xA;
	s2 =	sadd.s32 s3, s2  }
0x8d: {  	s2 =	sadd.s32 s2, s17  }
0x8e: {  	[smem:$0x3FC4] =	sst s2  }
0x8f: {  	_ = 	snop  }
0x90: {  	s2 =	sld [smem:$0x3FC9]  }
0x91: {  	s18 =	sld [smem:$0x3FD0];
	(tm) =	ssettm $0x1  }
0x92: {  	s4 =	sld [smem:$0x3FFB];
	_ =	sdelay $0x3  }
0x93: {  	_ =	strace s4  }
0x94: {  	s4 =	sld [smem:$0x3FFC];
	_ =	sdelay $0x3  }
0x95: {  	_ =	strace s4  }
0x96: {  	s4 =	sld [smem:$0x3FFD];
	_ =	sdelay $0x3  }
0x97: {  	_ =	strace s4  }
0x98: {  	_ =	strace $0x8FFFFFFF  }
0x99: {  	s19 =	sld [smem:$0x3FDB];
	_ =	sdelay $0x1  }
0x9a: {  	s5 =	simm.s32 $_scs_section_size  }
0x9b: {  	s6 =	simm.s32 $_size__tile_overlayer_lowered;
	s7 =	simm.s32 $_tile_overlayer_lowered  }
0x9c: {  	s22 =	simm.s32 $0x1BFF;
	s21 =	sshll.u32 s7, $0x1;
	s4 =	sadd.s32 s5, s19  }
0x9d: {  	s8 =	simm.s32 $0x0;
	s20 =	sshll.u32 s6, $0x1;
	s6 =	sadd.s32 s21, s4  }
0x9e: {  	[timem:s8], [sflag:s22] =	dma.local [hbm:s6], s20  }
0x9f: {  	_ =	swait.ge [sflag:s22], s20  }
0xa0: {  	s5 =	ssub.s32 $0x0, s20;
	[sflag:s22] =	ssyncset.done $0x0  }
0xa1: {  	[sflag:s22] =	ssyncadd.s32 s5;
	_ =	sdelay $0x1  }
0xa2: {  	s23 =	simm.s32 $0x1B8B  }
0xa3: {  	_ =	swait.ge [sflag:s23], $0x1  }
0xa4: {  	[sflag:s23] =	ssyncset.done $0x0  }
0xa5: {  	s25 =	simm.s32 $0x1B8E;
	s24 =	sld [smem:$0x3FFE];
	[sflag:s23] =	ssyncadd.s32 $0xFFFFFFFF  }
0xa6: {  	s26 =	simm.s32 $execute0_lowered;
	[smem:$0x3FD2] =	sst s25  }
0xa7: {  	s6 =	sshll.u32 s26, $0x1;
	_ =	strace $0x80000046;
	[dreg:$0x1] =	wrdreg $0xFFFFFFFF  }
0xa8: {  	s28 =	simm.s32 $_size_execute0_lowered;
	s4 =	sadd.s32 s4, s6;
	[dreg:$0x0] =	wrdreg $0x0  }
0xa9: {  	s6 =	sshll.u32 s28, $0x1;
	[dreg:$0x2] =	wrdreg s4  }
0xaa: {  	[dreg:$0x3] =	wrdreg s6  }
0xab: {  	[dreg:$0x4] =	wrdreg $0xC0  }
0xac: {  	_ =	task [dreg:s8], $0x5FFFF  }
0xad: {  	[dreg:$0x1] =	wrdreg $0xFFFFFFFF  }
0xae: {  	[dreg:$0x0] =	wrdreg $0x60  }
0xaf: {  	[dreg:$0x2] =	wrdreg s24  }
0xb0: {  	[dreg:$0x3] =	wrdreg s2  }
0xb1: {  	[dreg:$0x4] =	wrdreg s18  }
0xb2: {  	[dreg:$0x5] =	wrdreg $0x9  }
0xb3: {  	_ =	task.clear_ibuf [dreg:s8], $0x6FFFF;
	_ =	strace $0x90000046  }
0xb4: {  	s29 =	simm.s32 $0x9;
	_ =	strace $0x80000048  }
0xb5: {  	_ =	swait.ge [sflag:s29], $0x1  }
0xb6: {  	[sflag:s29] =	ssyncadd.s32 $0xFFFFFFFF  }
0xb7: {  	_ =	strace $0x90000048  }
0xb8: {  	_ =	sfence  }
0xb9: {  	s30 =	sld [smem:$0x0];
	_ =	sdelay $0x2  }
0xba: {  	s31 =	sshll.u32 s1, $0xD;
	s1 =	sshrl.u32 s1, $0x2  }
0xbb: {  	s3 =	sand.u32 $0x4000, s31;
	s1 =	sadd.s32 s1, s30  }
0xbc: {  	s0 =	sor.u32 s3, s0;
	s1 =	sshll.u32 s1, $0x11  }
0xbd: {  	s0 =	sor.u32 s1, s0  }
0xbe: {  	s0 =	sadd.s32 $0x8F2B, s0  }
0xbf: {  	[sflag:s0] =	ssyncadd.remote.s32 $0x1  }
0xc0: {  	_ =	sfence.sel $0xFFFF  }
0xc1: {  	[dreg:$0x0] =	wrdreg $0xFFFFFFFF;
	(pc) =	sbr.abs _section_cstart, $3  }
0xc2: {  	[dreg:$0x1] =	wrdreg $0xFFFFFFFF  }
0xc3: {  	_ =	task.clear_ibuf [dreg:s8], $0x2FFFF;
	_ =	strace $0x9FFFFFFF  }
0xc4: {  	(tm) =	ssettm $0x7FFFFFFF  }
0xc5: {  	_ =	shalt  }
tec
execute0_lowered:
.L_overlay_start_1:
0x0: {  	(tag) =	ssettag $0x1  }
0x1: {  	s0 =	rddreg [dreg:$0x0]  }
0x2: {  	s1 =	rddreg [dreg:$0x1]  }
0x3: {  	s3 =	rddreg [dreg:$0x2];
	s2 =	simm.s32 $0x0  }
0x4: {  	s4 =	srdreg.scid;
	s8 =	stileid.u32;
	s28 =	simm.s32 $0x1C000  }
0x5: {  	s29 =	simm.s32 $0x1D000;
	s30 =	simm.s32 $0x1E000;
	s31 =	simm.s32 $0x1  }
0x6: {  	[smem:$0x7FF] =	sst s2;
	s4 =	sand.u32 $0x1, s4;
	s5 =	sadd.s32 $0x21A00, s0  }
0x7: {  	s6 =	sshll.u32 s8, $0x2;
	s18 =	sadd.s32 $0x95A00, s0;
	s19 =	sadd.s32 $0x109A00, s0  }
0x8: {  	s13 =	sadd.s32 $0x1A00, s0;
	s10 =	sshll.u32 s8, $0xE;
	s14 =	sadd.s32 $0x9A00, s0  }
0x9: {  	s15 =	sadd.s32 $0x11A00, s0;
	s0 =	sadd.s32 $0x19A00, s0;
	s7 =	sshll.u32 s4, $0x1  }
0xa: {  	_ =	strace $0x80000047;
	s4 =	ssub.s32 $0x2, s4;
	s6 =	sor.u32 s7, s6  }
0xb: {  	s9 =	sshrl.u32 s4, $0x1;
	s7 =	sshll.u32 s6, $0x7;
	s21 =	smul.u32 $0x1900, s6  }
0xc: {  	s4 =	ssub.s32 s4, s9;
	s12 =	smul.u32 $0x1D00, s6;
	s16 =	sor.u32 $0x1, s6  }
0xd: {  	s7 =	sor.u32 s10, s7;
	s17 =	sshll.u32 s16, $0x7;
	s26 =	smul.u32 $0x1900, s16  }
0xe: {  	s7 =	sand.u32 $0x38300, s7;
	s22 =	sadd.s32 s1, s21;
	s8 =	sadd.s32 s5, s12  }
0xf: {  	s9 =	sadd.s32 s18, s12;
	s17 =	sor.u32 s10, s17;
	s10 =	sadd.s32 s19, s12  }
0x10: {  	s21 =	smul.u32 $0x1D00, s16;
	s11 =	sshrl.u32 s7, $0x3;
	[dreg:$0x4] =	wrdreg s22  }
0x11: {  	s17 =	sand.u32 $0x38380, s17;
	s12 =	sadd.s32 s1, s26;
	s22 =	simm.s32 $0xE800  }
0x12: {  	s26 =	simm.s32 $0x2;
	s1 =	simm.s32 $0x0;
	s23 =	sadd.s32 s13, s11  }
0x13: {  	s24 =	sadd.s32 s14, s11;
	s25 =	sadd.s32 s15, s11;
	s7 =	sadd.s32 s0, s11  }
0x14: {  	s11 =	sadd.s32 s3, s11;
	s20 =	sshrl.u32 s17, $0x3;
	[dreg:$0x5] =	wrdreg s23  }
0x15: {  	s17 =	sadd.s32 s5, s21;
	s18 =	sadd.s32 s18, s21;
	[dreg:$0x6] =	wrdreg s24  }
0x16: {  	s19 =	sadd.s32 s19, s21;
	s21 =	smax.u32 s4, $0x1;
	[dreg:$0x7] =	wrdreg s25  }
0x17: {  	s13 =	sadd.s32 s13, s20;
	s14 =	sadd.s32 s14, s20;
	s15 =	sadd.s32 s15, s20  }
0x18: {  	s16 =	sadd.s32 s0, s20;
	s20 =	sadd.s32 s3, s20;
	s23 =	simm.s32 $0x80  }
0x19: {  	s24 =	simm.s32 $0x400;
	s25 =	simm.s32 $0x1B000;
	s0 =	simm.s32 $0x1F000  }
.LBB2_1:
0x1a: {  	s3 =	rddreg [dreg:$0x4]  }
0x1b: {  	[tilespmem:s22], [sflag:$0x1] =	stream.linear.gather [hbm4b:s3+s2], $0xC800, $0x38;
	v63 =	vld [tilespmem:$0x0]  }
0x1c: {  	s4 =	rddreg [dreg:$0x5]  }
0x1d: {  	[tilespmem:s25], [sflag:$0x2] =	stream.strided.gather [hbm4b:s4+s23], $0x1000, s24, s23, $0x38;
	v63 =	vld [tilespmem:$0x0]  }
0x1e: {  	_ =	swait.ge [sflag:s26], $0x1000  }
0x1f: {  	[sflag:s26] =	ssyncset.done $0x0  }
0x20: {  	s5 =	rddreg [dreg:$0x6];
	[sflag:s26] =	ssyncadd.s32 $0xFFFFF000  }
0x21: {  	[tilespmem:s28], [sflag:$0x2] =	stream.strided.gather [hbm4b:s5+s23], $0x1000, s24, s23, $0x38;
	v63 =	vld [tilespmem:$0x0]  }
0x22: {  	_ =	swait.ge [sflag:s26], $0x1000  }
0x23: {  	[sflag:s26] =	ssyncset.done $0x0  }
0x24: {  	s6 =	rddreg [dreg:$0x7];
	[sflag:s26] =	ssyncadd.s32 $0xFFFFF000  }
0x25: {  	[tilespmem:s29], [sflag:$0x2] =	stream.strided.gather [hbm4b:s6+s23], $0x1000, s24, s23, $0x38;
	v63 =	vld [tilespmem:$0x0]  }
0x26: {  	_ =	swait.ge [sflag:s26], $0x1000  }
0x27: {  	[sflag:s26] =	ssyncset.done $0x0  }
0x28: {  	[sflag:s26] =	ssyncadd.s32 $0xFFFFF000  }
0x29: {  	[tilespmem:s30], [sflag:$0x2] =	stream.strided.gather [hbm4b:s7+s23], $0x1000, s24, s23, $0x38;
	v63 =	vld [tilespmem:$0x0]  }
0x2a: {  	_ =	swait.ge [sflag:s26], $0x1000  }
0x2b: {  	[sflag:s26] =	ssyncset.done $0x0  }
0x2c: {  	[sflag:s26] =	ssyncadd.s32 $0xFFFFF000  }
0x2d: {  	[tilespmem:s2], [sflag:$0x2] =	stream.linear.gather [hbm4b:s8+s2], $0xE800, $0x38;
	v63 =	vld [tilespmem:$0x0]  }
0x2e: {  	_ =	swait.ge [sflag:s26], $0xE800  }
0x2f: {  	[sflag:s26] =	ssyncset.done $0x0  }
0x30: {  	s3 =	simm.s32 $0x0;
	[sflag:s26] =	ssyncadd.s32 $0xFFFF1800  }
0x31: {  	v0 =	vld [tilespmem:s3+$0x1B000];
	_ =	sdelay $0x4  }
0x32: {  	v1 =	vshrl.u32 v0, $0x8  }
0x33: {  	v0 =	vand.u32 $0xFF, v0;
	v2 =	vadd.s32 $0x62, v1  }
0x34: {  	v3 =	vadd.s32 $0x61, v0;
	v4 =	vadd.s32 $0x69, v0;
	v5 =	vadd.s32 $0x66, v1  }
0x35: {  	v6 =	vadd.s32 $0x5E, v1;
	v7 =	vadd.s32 $0x5D, v0;
	v0 =	vadd.s32 $0x6D, v0  }
0x36: {  	v1 =	vadd.s32 $0x6A, v1;
	v8 =	vand.u32 $0x7F, v3;
	v9 =	vshll.u32 v2, $0x7  }
0x37: {  	v10 =	vand.u32 $0x7F, v4;
	v11 =	vshll.u32 v5, $0x7;
	v12 =	vand.u32 $0x7F, v7  }
0x38: {  	v13 =	vand.u32 $0x7F, v0;
	v2 =	vshll.u32 v2, $0x8;
	v3 =	vshll.u32 v3, $0x3  }
0x39: {  	v4 =	vshll.u32 v4, $0x3;
	v5 =	vshll.u32 v5, $0x8;
	v14 =	vshll.u32 v6, $0x7  }
0x3a: {  	v15 =	vshll.u32 v1, $0x7;
	v6 =	vshll.u32 v6, $0x8;
	v7 =	vshll.u32 v7, $0x3  }
0x3b: {  	v0 =	vshll.u32 v0, $0x3;
	v1 =	vshll.u32 v1, $0x8;
	v9 =	vand.u32 $0x380, v9  }
0x3c: {  	v11 =	vand.u32 $0x380, v11;
	v2 =	vand.u32 $0xFFFFF800, v2;
	v3 =	vand.u32 $0xC00, v3  }
0x3d: {  	v4 =	vand.u32 $0xC00, v4;
	v5 =	vand.u32 $0xFFFFF800, v5;
	v14 =	vand.u32 $0x380, v14  }
0x3e: {  	v6 =	vand.u32 $0xFFFFF800, v6;
	v7 =	vand.u32 $0xC00, v7;
	v15 =	vand.u32 $0x380, v15  }
0x3f: {  	v0 =	vand.u32 $0xC00, v0;
	v1 =	vand.u32 $0xFFFFF800, v1;
	v16 =	vadd.s32 v4, v2  }
0x40: {  	v4 =	vadd.s32 v4, v5;
	v17 =	vadd.s32 v7, v6;
	v16 =	vor.u32 v9, v16  }
0x41: {  	s4 =	simm.s32 $0x10;
	v6 =	vadd.s32 v0, v6;
	v4 =	vor.u32 v11, v4;
	v16 =	vor.u32 v10, v16  }
0x42: {  	v0 =	vadd.s32 v0, v1;
	v6 =	vor.u32 v14, v6;
	v4 =	vor.u32 v10, v4;
	v10 =	vld [tilespmem:s4+$0x1B000]  }
0x43: {  	v1 =	vadd.s32 v7, v1;
	v0 =	vor.u32 v15, v0;
	v6 =	vor.u32 v13, v6  }
0x44: {  	v5 =	vadd.s32 v3, v5;
	v14 =	vor.u32 v14, v17;
	v0 =	vor.u32 v13, v0  }
0x45: {  	v2 =	vadd.s32 v3, v2;
	v1 =	vor.u32 v15, v1;
	v7 =	vor.u32 v12, v14  }
0x46: {  	v3 =	vor.u32 v11, v5;
	v2 =	vor.u32 v9, v2;
	v1 =	vor.u32 v12, v1;
	v16 =	vld.idx.msk [tilespmem:v16+s2+$0x0], $0xffff  }
0x47: {  	v5 =	vor.u32 v8, v3;
	v17 =	vld.idx.msk [tilespmem:v4+s2+$0x0], $0xffff;
	v3 =	vshrl.u32 v10, $0x8;
	v4 =	vand.u32 $0xFF, v10  }
0x48: {  	v8 =	vor.u32 v8, v2;
	v6 =	vld.idx.msk [tilespmem:v6+s2+$0x0], $0xffff;
	v9 =	vadd.s32 $0x62, v3;
	v10 =	vadd.s32 $0x61, v4  }
0x49: {  	v18 =	vld.idx.msk [tilespmem:v0+s2+$0x0], $0xffff;
	v11 =	vadd.s32 $0x69, v4;
	v14 =	vadd.s32 $0x66, v3;
	v19 =	vadd.s32 $0x5E, v3  }
0x4a: {  	v20 =	vld.idx.msk [tilespmem:v7+s2+$0x0], $0xffff;
	v21 =	vadd.s32 $0x5D, v4;
	v4 =	vadd.s32 $0x6D, v4;
	v22 =	vadd.s32 $0x6A, v3  }
0x4b: {  	v23 =	vld.idx.msk [tilespmem:v1+s2+$0x0], $0xffff;
	v0 =	vand.u32 $0x7F, v10;
	v24 =	vshll.u32 v9, $0x7;
	v3 =	vand.u32 $0x7F, v11  }
0x4c: {  	v25 =	vld.idx.msk [tilespmem:v5+s2+$0x0], $0xffff;
	v5 =	vshll.u32 v14, $0x7;
	v1 =	vand.u32 $0x7F, v21;
	v2 =	vand.u32 $0x7F, v4  }
0x4d: {  	v26 =	vld.idx.msk [tilespmem:v8+s2+$0x0], $0xffff;
	v27 =	vshll.u32 v9, $0x8;
	v12 =	vshll.u32 v10, $0x3;
	v13 =	vshll.u32 v11, $0x3  }
0x4e: {  	v15 =	vshll.u32 v14, $0x8;
	v14 =	vshll.u32 v19, $0x7;
	v7 =	vshll.u32 v22, $0x7  }
0x4f: {  	v10 =	vshll.u32 v19, $0x8;
	v11 =	vshll.u32 v21, $0x3;
	v17 =	vsub.f32 v17, v16;
	v16 =	vld [tilespmem:s3+$0x1E000]  }
0x50: {  	v8 =	vshll.u32 v4, $0x3;
	v19 =	vsub.f32 v18, v6;
	v20 =	vsub.f32 v23, v20  }
0x51: {  	v9 =	vshll.u32 v22, $0x8;
	v4 =	vand.u32 $0x380, v24;
	v5 =	vand.u32 $0x380, v5  }
0x52: {  	s5 =	simm.s32 $0x80;
	v6 =	vand.u32 $0xFFFFF800, v27;
	v18 =	vsub.f32 v25, v26;
	v19 =	vsub.f32 v19, v20  }
.LBB2_2:
0x53: {  	p0 =	sne.s32 s5, $0x3FC0;
	v12 =	vand.u32 $0xC00, v12;
	v13 =	vand.u32 $0xC00, v13;
	v15 =	vand.u32 $0xFFFFF800, v15  }
0x54: {  	v14 =	vand.u32 $0x380, v14;
	v17 =	vsub.f32 v17, v18;
	v16 =	vmul.f32 v19, v16  }
0x55: {  	v10 =	vand.u32 $0xFFFFF800, v10;
	v11 =	vand.u32 $0xC00, v11;
	v7 =	vand.u32 $0x380, v7  }
0x56: {  	v8 =	vand.u32 $0xC00, v8;
	v9 =	vand.u32 $0xFFFFF800, v9;
	v16 =	vadd.f32 v16, v17  }
0x57: {  	v18 =	vadd.s32 v11, v10;
	v17 =	vadd.s32 v13, v6;
	v13 =	vadd.s32 v13, v15  }
0x58: {  	v10 =	vadd.s32 v8, v10;
	v17 =	vor.u32 v4, v17;
	v16 =	vmul.f32 $1.000000010e-01, v16  }
0x59: {  	v8 =	vadd.s32 v8, v9;
	v13 =	vor.u32 v5, v13;
	v17 =	vor.u32 v3, v17  }
0x5a: {  	s6 =	sshra.s32 s5, $0x2;
	v10 =	vor.u32 v14, v10;
	v3 =	vor.u32 v3, v13;
	v13 =	vmax.f32 v16, $0.0e+00  }
0x5b: {  	v8 =	vor.u32 v7, v8;
	v10 =	vor.u32 v2, v10;
	v16 =	vld [tilespmem:s6+$0x1B000];
	v13 =	vmin.f32 v13, $1.000000000e+02  }
0x5c: {  	v9 =	vadd.s32 v11, v9;
	v14 =	vor.u32 v14, v18;
	v2 =	vor.u32 v2, v8;
	[tilespmem:s3+$0x1F000] =	vst v13;
	s3 =	smov.u32 s4;
	s4 =	smov.u32 s6  }
0x5d: {  	v7 =	vor.u32 v7, v9;
	v8 =	vadd.s32 v12, v15;
	v11 =	vor.u32 v1, v14  }
0x5e: {  	v6 =	vadd.s32 v12, v6;
	v1 =	vor.u32 v1, v7;
	v5 =	vor.u32 v5, v8;
	v17 =	vld.idx.msk [tilespmem:v17+s2+$0x0], $0xffff  }
0x5f: {  	v4 =	vor.u32 v4, v6;
	v5 =	vor.u32 v0, v5;
	v6 =	vld.idx.msk [tilespmem:v3+s2+$0x0], $0xffff  }
0x60: {  	v4 =	vor.u32 v0, v4;
	v3 =	vshrl.u32 v16, $0x8;
	v7 =	vand.u32 $0xFF, v16;
	v18 =	vld.idx.msk [tilespmem:v10+s2+$0x0], $0xffff  }
0x61: {  	v8 =	vadd.s32 $0x62, v3;
	v9 =	vadd.s32 $0x61, v7;
	v19 =	vld.idx.msk [tilespmem:v2+s2+$0x0], $0xffff  }
0x62: {  	v10 =	vadd.s32 $0x69, v7;
	v14 =	vadd.s32 $0x66, v3;
	v16 =	vadd.s32 $0x5E, v3;
	v20 =	vld.idx.msk [tilespmem:v11+s2+$0x0], $0xffff  }
0x63: {  	v21 =	vadd.s32 $0x6D, v7;
	v22 =	vadd.s32 $0x6A, v3;
	v11 =	vadd.s32 $0x5D, v7;
	v23 =	vld.idx.msk [tilespmem:v1+s2+$0x0], $0xffff  }
0x64: {  	v0 =	vand.u32 $0x7F, v9;
	v24 =	vshll.u32 v8, $0x7;
	v3 =	vand.u32 $0x7F, v10;
	v25 =	vld.idx.msk [tilespmem:v5+s2+$0x0], $0xffff  }
0x65: {  	v2 =	vand.u32 $0x7F, v21;
	v1 =	vand.u32 $0x7F, v11;
	v5 =	vshll.u32 v14, $0x7;
	v26 =	vld.idx.msk [tilespmem:v4+s2+$0x0], $0xffff  }
0x66: {  	v27 =	vshll.u32 v8, $0x8;
	v12 =	vshll.u32 v9, $0x3;
	v13 =	vshll.u32 v10, $0x3  }
.Ltmp0:
0x67: {  	v15 =	vshll.u32 v14, $0x8;
	v7 =	vshll.u32 v22, $0x7;
	v14 =	vshll.u32 v16, $0x7;
	(pc) =	sbr.rel @p0 .LBB2_2-.Ltmp0, $4  }
0x68: {  	v10 =	vshll.u32 v16, $0x8;
	v8 =	vshll.u32 v21, $0x3;
	v11 =	vshll.u32 v11, $0x3;
	v16 =	vld [tilespmem:s3+$0x1E000]  }
0x69: {  	v9 =	vshll.u32 v22, $0x8;
	v19 =	vsub.f32 v19, v18;
	v20 =	vsub.f32 v23, v20  }
0x6a: {  	v17 =	vsub.f32 v6, v17;
	v4 =	vand.u32 $0x380, v24;
	v5 =	vand.u32 $0x380, v5  }
0x6b: {  	s5 =	sadd.s32 $0x40, s5;
	v6 =	vand.u32 $0xFFFFF800, v27;
	v18 =	vsub.f32 v25, v26;
	v19 =	vsub.f32 v19, v20  }
0x6c: {  	v12 =	vand.u32 $0xC00, v12;
	v13 =	vand.u32 $0xC00, v13;
	v15 =	vand.u32 $0xFFFFF800, v15  }
0x6d: {  	v14 =	vand.u32 $0x380, v14;
	v10 =	vand.u32 $0xFFFFF800, v10;
	v11 =	vand.u32 $0xC00, v11  }
0x6e: {  	v7 =	vand.u32 $0x380, v7;
	v17 =	vsub.f32 v17, v18;
	v16 =	vmul.f32 v19, v16  }
0x6f: {  	v8 =	vand.u32 $0xC00, v8;
	v9 =	vand.u32 $0xFFFFF800, v9;
	v58 =	vadd.s32 v13, v6  }
0x70: {  	v13 =	vadd.s32 v13, v15;
	v59 =	vadd.s32 v11, v10;
	v16 =	vadd.f32 v16, v17  }
0x71: {  	v10 =	vadd.s32 v8, v10;
	v8 =	vadd.s32 v8, v9;
	v17 =	vor.u32 v4, v58  }
0x72: {  	v13 =	vor.u32 v5, v13;
	v17 =	vor.u32 v3, v17;
	v16 =	vmul.f32 $1.000000010e-01, v16  }
0x73: {  	v9 =	vadd.s32 v11, v9;
	v10 =	vor.u32 v14, v10;
	v3 =	vor.u32 v3, v13  }
0x74: {  	v8 =	vor.u32 v7, v8;
	v10 =	vor.u32 v2, v10;
	v60 =	vmax.f32 v16, $0.0e+00  }
0x75: {  	v14 =	vor.u32 v14, v59;
	v2 =	vor.u32 v2, v8;
	v13 =	vmin.f32 v60, $1.000000000e+02  }
0x76: {  	v7 =	vor.u32 v7, v9;
	v8 =	vadd.s32 v12, v15;
	v61 =	vor.u32 v1, v14;
	[tilespmem:s3+$0x1F000] =	vst v13  }
0x77: {  	v6 =	vadd.s32 v12, v6;
	v1 =	vor.u32 v1, v7;
	v5 =	vor.u32 v5, v8;
	v62 =	vld.idx.msk [tilespmem:v17+s2+$0x0], $0xffff  }
0x78: {  	v4 =	vor.u32 v4, v6;
	v5 =	vor.u32 v0, v5;
	v3 =	vld.idx.msk [tilespmem:v3+s2+$0x0], $0xffff  }
0x79: {  	v0 =	vor.u32 v0, v4;
	v4 =	vld.idx.msk [tilespmem:v10+s2+$0x0], $0xffff  }
0x7a: {  	v2 =	vld.idx.msk [tilespmem:v2+s2+$0x0], $0xffff  }
0x7b: {  	v6 =	vld.idx.msk [tilespmem:v61+s2+$0x0], $0xffff  }
0x7c: {  	v1 =	vld.idx.msk [tilespmem:v1+s2+$0x0], $0xffff  }
0x7d: {  	v5 =	vld.idx.msk [tilespmem:v5+s2+$0x0], $0xffff  }
0x7e: {  	v0 =	vld.idx.msk [tilespmem:v0+s2+$0x0], $0xffff;
	_ =	sdelay $0x1  }
0x7f: {  	v7 =	vld [tilespmem:s4+$0x1E000]  }
0x80: {  	v2 =	vsub.f32 v2, v4;
	v1 =	vsub.f32 v1, v6  }
0x81: {  	v3 =	vsub.f32 v3, v62  }
0x82: {  	v0 =	vsub.f32 v5, v0;
	v1 =	vsub.f32 v2, v1;
	_ =	sdelay $0x1  }
0x83: {  	v0 =	vsub.f32 v3, v0;
	v1 =	vmul.f32 v1, v7;
	_ =	sdelay $0x1  }
0x84: {  	v0 =	vadd.f32 v1, v0;
	_ =	sdelay $0x1  }
0x85: {  	v0 =	vmul.f32 $1.000000010e-01, v0;
	_ =	sdelay $0x1  }
0x86: {  	v0 =	vmax.f32 v0, $0.0e+00  }
0x87: {  	v0 =	vmin.f32 v0, $1.000000000e+02  }
0x88: {  	s6 =	simm.s32 $0x0;
	[tilespmem:s4+$0x1F000] =	vst v0  }
0x89: {  	[tilespmem:s6], [sflag:$0x2] =	stream.linear.gather [hbm4b:s9+s6], $0xE800, $0x38;
	v63 =	vld [tilespmem:$0x0]  }
0x8a: {  	_ =	swait.ge [sflag:s26], $0xE800  }
0x8b: {  	[sflag:s26] =	ssyncset.done $0x0  }
0x8c: {  	s3 =	simm.s32 $0x0;
	[sflag:s26] =	ssyncadd.s32 $0xFFFF1800  }
0x8d: {  	v0 =	vld [tilespmem:s3+$0x1C000];
	_ =	sdelay $0x4  }
0x8e: {  	v1 =	vand.u32 $0xFF, v0;
	v0 =	vshrl.u32 v0, $0x8  }
0x8f: {  	v2 =	vadd.s32 $0x61, v1;
	v3 =	vadd.s32 $0x62, v0;
	v1 =	vadd.s32 $0x69, v1  }
0x90: {  	v0 =	vadd.s32 $0x66, v0;
	v4 =	vand.u32 $0x7F, v2;
	v5 =	vshll.u32 v3, $0x7  }
0x91: {  	v6 =	vand.u32 $0x7F, v1;
	v7 =	vshll.u32 v0, $0x7;
	v3 =	vshll.u32 v3, $0x8  }
0x92: {  	v2 =	vshll.u32 v2, $0x3;
	v1 =	vshll.u32 v1, $0x3;
	v0 =	vshll.u32 v0, $0x8  }
0x93: {  	v5 =	vand.u32 $0x380, v5;
	v3 =	vand.u32 $0xFFFFF800, v3;
	v1 =	vand.u32 $0xC00, v1  }
0x94: {  	v7 =	vand.u32 $0x380, v7;
	v0 =	vand.u32 $0xFFFFF800, v0;
	v8 =	vadd.s32 v1, v3  }
0x95: {  	v2 =	vand.u32 $0xC00, v2;
	v1 =	vadd.s32 v1, v0;
	v8 =	vor.u32 v5, v8  }
0x96: {  	v0 =	vadd.s32 v2, v0;
	v1 =	vor.u32 v7, v1;
	v8 =	vor.u32 v6, v8  }
0x97: {  	s4 =	simm.s32 $0x10;
	v2 =	vadd.s32 v2, v3;
	v0 =	vor.u32 v7, v0;
	v1 =	vor.u32 v6, v1  }
0x98: {  	v2 =	vor.u32 v5, v2;
	v5 =	vld [tilespmem:s4+$0x1C000];
	v3 =	vor.u32 v4, v0  }
0x99: {  	v4 =	vor.u32 v4, v2;
	_ =	sdelay $0x1  }
0x9a: {  	v0 =	vld.idx.msk [tilespmem:v8+s2+$0x0], $0xffff  }
0x9b: {  	v1 =	vld.idx.msk [tilespmem:v1+s2+$0x0], $0xffff  }
0x9c: {  	v6 =	vshrl.u32 v5, $0x8;
	v7 =	vand.u32 $0xFF, v5;
	v2 =	vld.idx.msk [tilespmem:v3+s2+$0x0], $0xffff  }
0x9d: {  	s5 =	simm.s32 $0x80;
	v3 =	vld.idx.msk [tilespmem:v4+s2+$0x0], $0xffff;
	v5 =	vadd.s32 $0x62, v6;
	v4 =	vadd.s32 $0x61, v7  }
.LBB2_4:
0x9e: {  	p0 =	sne.s32 s5, $0x3FC0;
	v8 =	vand.u32 $0x7F, v4;
	v7 =	vadd.s32 $0x69, v7;
	v6 =	vadd.s32 $0x66, v6  }
0x9f: {  	v9 =	vshll.u32 v5, $0x7;
	v10 =	vand.u32 $0x7F, v7;
	v11 =	vshll.u32 v6, $0x7  }
0xa0: {  	v5 =	vshll.u32 v5, $0x8;
	v4 =	vshll.u32 v4, $0x3;
	v7 =	vshll.u32 v7, $0x3  }
0xa1: {  	v9 =	vand.u32 $0x380, v9;
	v6 =	vshll.u32 v6, $0x8;
	v11 =	vand.u32 $0x380, v11  }
0xa2: {  	v5 =	vand.u32 $0xFFFFF800, v5;
	v0 =	vsub.f32 v1, v0;
	v1 =	vsub.f32 v2, v3  }
0xa3: {  	v2 =	vand.u32 $0xC00, v4;
	v3 =	vand.u32 $0xC00, v7;
	v4 =	vand.u32 $0xFFFFF800, v6;
	v6 =	vld [tilespmem:s3+$0x1F000]  }
0xa4: {  	v7 =	vadd.s32 v2, v5;
	v5 =	vadd.s32 v3, v5;
	v0 =	vsub.f32 v0, v1  }
0xa5: {  	v2 =	vadd.s32 v2, v4;
	v3 =	vadd.s32 v3, v4;
	v1 =	vor.u32 v9, v5  }
0xa6: {  	v3 =	vor.u32 v11, v3;
	v1 =	vor.u32 v10, v1;
	v0 =	vmax.f32 v0, $0.0e+00  }
0xa7: {  	v2 =	vor.u32 v11, v2;
	v3 =	vor.u32 v10, v3;
	v0 =	vmin.f32 v0, $1.000000000e+02  }
0xa8: {  	s6 =	sshra.s32 s5, $0x2;
	v4 =	vor.u32 v9, v7;
	v2 =	vor.u32 v8, v2;
	v0 =	vadd.f32 v0, v6  }
0xa9: {  	v4 =	vor.u32 v8, v4;
	v5 =	vld [tilespmem:s6+$0x1C000]  }
0xaa: {  	[tilespmem:s3+$0x1F000] =	vst v0;
	s3 =	smov.u32 s4;
	s4 =	smov.u32 s6  }
.Ltmp1:
0xab: {  	v0 =	vld.idx.msk [tilespmem:v1+s2+$0x0], $0xffff;
	(pc) =	sbr.rel @p0 .LBB2_4-.Ltmp1, $4  }
0xac: {  	v1 =	vld.idx.msk [tilespmem:v3+s2+$0x0], $0xffff  }
0xad: {  	v2 =	vld.idx.msk [tilespmem:v2+s2+$0x0], $0xffff  }
0xae: {  	v6 =	vshrl.u32 v5, $0x8;
	v7 =	vand.u32 $0xFF, v5;
	v3 =	vld.idx.msk [tilespmem:v4+s2+$0x0], $0xffff  }
0xaf: {  	s5 =	sadd.s32 $0x40, s5;
	v5 =	vadd.s32 $0x62, v6;
	v4 =	vadd.s32 $0x61, v7  }
0xb0: {  	v8 =	vand.u32 $0x7F, v4;
	v7 =	vadd.s32 $0x69, v7;
	v6 =	vadd.s32 $0x66, v6  }
0xb1: {  	v9 =	vshll.u32 v5, $0x7;
	v5 =	vshll.u32 v5, $0x8;
	v4 =	vshll.u32 v4, $0x3  }
0xb2: {  	v10 =	vand.u32 $0x7F, v7;
	v11 =	vshll.u32 v6, $0x7;
	v7 =	vshll.u32 v7, $0x3  }
0xb3: {  	v9 =	vand.u32 $0x380, v9;
	v6 =	vshll.u32 v6, $0x8;
	v5 =	vand.u32 $0xFFFFF800, v5  }
0xb4: {  	v0 =	vsub.f32 v1, v0;
	v11 =	vand.u32 $0x380, v11;
	v1 =	vsub.f32 v2, v3  }
0xb5: {  	v2 =	vand.u32 $0xC00, v4;
	v3 =	vand.u32 $0xC00, v7;
	v4 =	vand.u32 $0xFFFFF800, v6;
	v6 =	vld [tilespmem:s3+$0x1F000]  }
0xb6: {  	v7 =	vadd.s32 v2, v5;
	v5 =	vadd.s32 v3, v5;
	v0 =	vsub.f32 v0, v1  }
0xb7: {  	v2 =	vadd.s32 v2, v4;
	v3 =	vadd.s32 v3, v4;
	v1 =	vor.u32 v9, v5  }
0xb8: {  	v3 =	vor.u32 v11, v3;
	v1 =	vor.u32 v10, v1;
	v0 =	vmax.f32 v0, $0.0e+00  }
0xb9: {  	v2 =	vor.u32 v11, v2;
	v3 =	vor.u32 v10, v3;
	v0 =	vmin.f32 v0, $1.000000000e+02  }
0xba: {  	v4 =	vor.u32 v9, v7;
	v2 =	vor.u32 v8, v2;
	v0 =	vadd.f32 v0, v6  }
0xbb: {  	v4 =	vor.u32 v8, v4  }
0xbc: {  	[tilespmem:s3+$0x1F000] =	vst v0  }
0xbd: {  	v0 =	vld.idx.msk [tilespmem:v1+s2+$0x0], $0xffff  }
0xbe: {  	v1 =	vld.idx.msk [tilespmem:v3+s2+$0x0], $0xffff  }
0xbf: {  	v2 =	vld.idx.msk [tilespmem:v2+s2+$0x0], $0xffff  }
0xc0: {  	v3 =	vld.idx.msk [tilespmem:v4+s2+$0x0], $0xffff;
	_ =	sdelay $0x4  }
0xc1: {  	v0 =	vsub.f32 v1, v0;
	v1 =	vsub.f32 v2, v3  }
0xc2: {  	v2 =	vld [tilespmem:s4+$0x1F000]  }
0xc3: {  	v0 =	vsub.f32 v0, v1;
	_ =	sdelay $0x1  }
0xc4: {  	v0 =	vmax.f32 v0, $0.0e+00  }
0xc5: {  	v0 =	vmin.f32 v0, $1.000000000e+02  }
0xc6: {  	v0 =	vadd.f32 v0, v2;
	_ =	sdelay $0x1  }
0xc7: {  	s6 =	simm.s32 $0x0;
	[tilespmem:s4+$0x1F000] =	vst v0  }
0xc8: {  	[tilespmem:s6], [sflag:$0x2] =	stream.linear.gather [hbm4b:s10+s6], $0xE800, $0x38;
	v63 =	vld [tilespmem:$0x0]  }
0xc9: {  	_ =	swait.ge [sflag:s26], $0xE800  }
0xca: {  	[sflag:s26] =	ssyncset.done $0x0  }
0xcb: {  	[sflag:s26] =	ssyncadd.s32 $0xFFFF1800  }
0xcc: {  	_ =	swait.ge [sflag:s31], $0xC800  }
0xcd: {  	[sflag:s31] =	ssyncset.done $0x0  }
0xce: {  	s3 =	simm.s32 $0x0;
	[sflag:s31] =	ssyncadd.s32 $0xFFFF3800  }
0xcf: {  	v0 =	vld [tilespmem:s3+$0x1B000];
	_ =	sdelay $0x4  }
0xd0: {  	v1 =	vshrl.u32 v0, $0x8;
	v0 =	vand.u32 $0xFF, v0  }
0xd1: {  	v2 =	vadd.s32 $0x62, v1;
	v3 =	vadd.s32 $0x61, v0;
	v0 =	vadd.s32 $0x69, v0  }
0xd2: {  	v1 =	vadd.s32 $0x66, v1;
	v4 =	vand.u32 $0x7F, v3;
	v5 =	vshll.u32 v2, $0x7  }
0xd3: {  	v6 =	vand.u32 $0x7F, v0;
	v7 =	vshll.u32 v1, $0x7;
	v2 =	vshll.u32 v2, $0x8  }
0xd4: {  	v3 =	vshll.u32 v3, $0x3;
	v0 =	vshll.u32 v0, $0x3;
	v1 =	vshll.u32 v1, $0x8  }
0xd5: {  	v5 =	vand.u32 $0x380, v5;
	v2 =	vand.u32 $0xFFFFF800, v2;
	v0 =	vand.u32 $0xC00, v0  }
0xd6: {  	v3 =	vand.u32 $0xC00, v3;
	v1 =	vand.u32 $0xFFFFF800, v1;
	v8 =	vadd.s32 v0, v2  }
0xd7: {  	v9 =	vld [tilespmem:s3+$0x1D000];
	v7 =	vand.u32 $0x380, v7;
	v0 =	vadd.s32 v0, v1;
	v8 =	vor.u32 v5, v8  }
0xd8: {  	v1 =	vadd.s32 v3, v1;
	v0 =	vor.u32 v7, v0;
	v8 =	vor.u32 v6, v8  }
0xd9: {  	v2 =	vadd.s32 v3, v2;
	v1 =	vor.u32 v7, v1;
	v0 =	vor.u32 v6, v0  }
0xda: {  	v2 =	vor.u32 v5, v2;
	v1 =	vor.u32 v4, v1  }
0xdb: {  	s4 =	simm.s32 $0x10;
	v11 =	vor.u32 v4, v2  }
0xdc: {  	v10 =	vld [tilespmem:s4+$0x1B000];
	v2 =	vshll.u32 v9, $0x3  }
0xdd: {  	v5 =	vand.u32 $0xFFFFF87F, v9;
	v4 =	vshrl.u32 v9, $0x1;
	v3 =	vand.u32 $0x400, v2;
	v2 =	vld.idx.msk [tilespmem:v8+s2+$0x0], $0xffff  }
0xde: {  	v4 =	vand.u32 $0x380, v4;
	v5 =	vor.u32 v3, v5;
	v3 =	vld.idx.msk [tilespmem:v0+s2+$0x0], $0xffff  }
0xdf: {  	v5 =	vor.u32 v4, v5;
	v4 =	vld.idx.msk [tilespmem:v1+s2+$0x0], $0xffff  }
0xe0: {  	v8 =	vld.idx.msk [tilespmem:v11+s2+$0x0], $0xffff  }
0xe1: {  	v7 =	vshrl.u32 v10, $0x8  }
0xe2: {  	v6 =	vadd.s32 $0x62, v7;
	v0 =	vand.u32 $0xFF, v10  }
0xe3: {  	v7 =	vadd.s32 $0x66, v7;
	v9 =	vadd.s32 $0x61, v0;
	v10 =	vadd.s32 $0x69, v0  }
0xe4: {  	s5 =	simm.s32 $0x80;
	v11 =	vshll.u32 v6, $0x7;
	v0 =	vand.u32 $0x7F, v9;
	v1 =	vand.u32 $0x7F, v10  }
.LBB2_6:
0xe5: {  	p0 =	sne.s32 s5, $0x3FC0;
	v12 =	vshll.u32 v7, $0x7;
	v2 =	vsub.f32 v3, v2;
	v3 =	vsub.f32 v4, v8;
	v4 =	vld.idx.msk [tilespmem:v5+s22+$0x0], $0xffff  }
0xe6: {  	v5 =	vshll.u32 v6, $0x8;
	v6 =	vshll.u32 v9, $0x3;
	v8 =	vshll.u32 v10, $0x3  }
0xe7: {  	v9 =	vand.u32 $0x380, v11;
	v7 =	vshll.u32 v7, $0x8;
	v2 =	vsub.f32 v2, v3  }
0xe8: {  	v3 =	vand.u32 $0xFFFFF800, v5;
	v5 =	vand.u32 $0xC00, v6;
	v6 =	vand.u32 $0x380, v12;
	v10 =	vld [tilespmem:s3+$0x1F000]  }
0xe9: {  	v8 =	vand.u32 $0xC00, v8;
	v7 =	vand.u32 $0xFFFFF800, v7;
	v2 =	vmul.f32 $5.000000000e+00, v2  }
0xea: {  	v11 =	vadd.s32 v5, v3;
	v3 =	vadd.s32 v8, v3;
	v5 =	vadd.s32 v5, v7  }
0xeb: {  	v7 =	vadd.s32 v8, v7;
	v4 =	vmul.f32 $1.000000000e+02, v4;
	v2 =	vmax.f32 v2, $0.0e+00  }
0xec: {  	v3 =	vor.u32 v9, v3;
	v7 =	vor.u32 v6, v7;
	v2 =	vmin.f32 v2, $1.000000000e+02  }
0xed: {  	v3 =	vor.u32 v1, v3;
	v4 =	vmax.f32 v4, $0.0e+00;
	v2 =	vadd.f32 v2, v10  }
0xee: {  	v5 =	vor.u32 v6, v5;
	v1 =	vor.u32 v1, v7;
	v4 =	vmin.f32 v4, $1.000000000e+02;
	v6 =	vld [tilespmem:s4+$0x1D000]  }
0xef: {  	v7 =	vor.u32 v9, v11;
	v5 =	vor.u32 v0, v5;
	v2 =	vadd.f32 v2, v4  }
0xf0: {  	s6 =	sshra.s32 s5, $0x2;
	v0 =	vor.u32 v0, v7  }
0xf1: {  	v7 =	vld [tilespmem:s6+$0x1B000];
	[tilespmem:s3+$0x1F000] =	vst v2;
	s3 =	smov.u32 s4;
	s4 =	smov.u32 s6  }
0xf2: {  	v2 =	vld.idx.msk [tilespmem:v3+s2+$0x0], $0xffff  }
0xf3: {  	v3 =	vld.idx.msk [tilespmem:v1+s2+$0x0], $0xffff;
	v1 =	vshll.u32 v6, $0x3  }
0xf4: {  	v4 =	vld.idx.msk [tilespmem:v5+s2+$0x0], $0xffff;
	v1 =	vand.u32 $0x400, v1;
	v5 =	vshrl.u32 v6, $0x1;
	v6 =	vand.u32 $0xFFFFF87F, v6  }
0xf5: {  	v8 =	vld.idx.msk [tilespmem:v0+s2+$0x0], $0xffff;
	v0 =	vand.u32 $0x380, v5;
	v1 =	vor.u32 v1, v6  }
.Ltmp2:
0xf6: {  	v5 =	vor.u32 v0, v1;
	(pc) =	sbr.rel @p0 .LBB2_6-.Ltmp2, $4  }
0xf7: {  	v0 =	vshrl.u32 v7, $0x8  }
0xf8: {  	v1 =	vand.u32 $0xFF, v7;
	v6 =	vadd.s32 $0x62, v0  }
0xf9: {  	v9 =	vadd.s32 $0x61, v1;
	v10 =	vadd.s32 $0x69, v1;
	v7 =	vadd.s32 $0x66, v0  }
0xfa: {  	s5 =	sadd.s32 $0x40, s5;
	v0 =	vand.u32 $0x7F, v9;
	v11 =	vshll.u32 v6, $0x7;
	v1 =	vand.u32 $0x7F, v10  }
0xfb: {  	_ =	sdelay $0x2  }
0xfc: {  	v12 =	vshll.u32 v7, $0x7;
	v2 =	vsub.f32 v3, v2;
	v3 =	vsub.f32 v4, v8  }
0xfd: {  	v4 =	vld.idx.msk [tilespmem:v5+s22+$0x0], $0xffff;
	v5 =	vshll.u32 v6, $0x8;
	v6 =	vshll.u32 v9, $0x3;
	v8 =	vshll.u32 v10, $0x3  }
0xfe: {  	v9 =	vand.u32 $0x380, v11;
	v7 =	vshll.u32 v7, $0x8;
	v2 =	vsub.f32 v2, v3  }
0xff: {  	v10 =	vld [tilespmem:s3+$0x1F000];
	v8 =	vand.u32 $0xC00, v8;
	v7 =	vand.u32 $0xFFFFF800, v7;
	v3 =	vand.u32 $0xFFFFF800, v5  }
0x100: {  	v5 =	vand.u32 $0xC00, v6;
	v6 =	vand.u32 $0x380, v12;
	v2 =	vmul.f32 $5.000000000e+00, v2  }
0x101: {  	v11 =	vadd.s32 v5, v3;
	v3 =	vadd.s32 v8, v3;
	v5 =	vadd.s32 v5, v7  }
0x102: {  	v7 =	vadd.s32 v8, v7;
	v4 =	vmul.f32 $1.000000000e+02, v4;
	v2 =	vmax.f32 v2, $0.0e+00  }
0x103: {  	v3 =	vor.u32 v9, v3;
	v7 =	vor.u32 v6, v7;
	v2 =	vmin.f32 v2, $1.000000000e+02  }
0x104: {  	v3 =	vor.u32 v1, v3;
	v4 =	vmax.f32 v4, $0.0e+00;
	v2 =	vadd.f32 v2, v10  }
0x105: {  	v5 =	vor.u32 v6, v5;
	v6 =	vld [tilespmem:s4+$0x1D000];
	v1 =	vor.u32 v1, v7;
	v4 =	vmin.f32 v4, $1.000000000e+02  }
0x106: {  	v7 =	vor.u32 v9, v11;
	v5 =	vor.u32 v0, v5;
	v2 =	vadd.f32 v2, v4  }
0x107: {  	v0 =	vor.u32 v0, v7  }
0x108: {  	[tilespmem:s3+$0x1F000] =	vst v2  }
0x109: {  	v2 =	vld.idx.msk [tilespmem:v3+s2+$0x0], $0xffff  }
0x10a: {  	v1 =	vld.idx.msk [tilespmem:v1+s2+$0x0], $0xffff;
	v3 =	vshll.u32 v6, $0x3  }
0x10b: {  	v4 =	vld.idx.msk [tilespmem:v5+s2+$0x0], $0xffff;
	v5 =	vshrl.u32 v6, $0x1;
	v6 =	vand.u32 $0xFFFFF87F, v6;
	v3 =	vand.u32 $0x400, v3  }
0x10c: {  	v0 =	vld.idx.msk [tilespmem:v0+s2+$0x0], $0xffff;
	v5 =	vand.u32 $0x380, v5;
	v3 =	vor.u32 v3, v6  }
0x10d: {  	v3 =	vor.u32 v5, v3;
	_ =	sdelay $0x3  }
0x10e: {  	v1 =	vsub.f32 v1, v2;
	v0 =	vsub.f32 v4, v0  }
0x10f: {  	v2 =	vld.idx.msk [tilespmem:v3+s22+$0x0], $0xffff  }
0x110: {  	v0 =	vsub.f32 v1, v0  }
0x111: {  	v1 =	vld [tilespmem:s4+$0x1F000]  }
0x112: {  	v0 =	vmul.f32 $5.000000000e+00, v0;
	_ =	sdelay $0x1  }
0x113: {  	v0 =	vmax.f32 v0, $0.0e+00;
	v2 =	vmul.f32 $1.000000000e+02, v2  }
0x114: {  	v0 =	vmin.f32 v0, $1.000000000e+02  }
0x115: {  	v0 =	vadd.f32 v0, v1;
	v1 =	vmax.f32 v2, $0.0e+00  }
0x116: {  	v1 =	vmin.f32 v1, $1.000000000e+02  }
0x117: {  	v0 =	vadd.f32 v0, v1;
	_ =	sdelay $0x1  }
0x118: {  	[tilespmem:s4+$0x1F000] =	vst v0  }
0x119: {  	[hbm4b:s11+s23] =	stream.strided.scatter [tilespmem:s0], [sflag:$0x2], $0x1000, s24, s23, $0x38;
	v63 =	vld [tilespmem:$0x0]  }
0x11a: {  	_ =	swait.ge [sflag:s26], $0x1000  }
0x11b: {  	[sflag:s26] =	ssyncset.done $0x0  }
0x11c: {  	s6 =	simm.s32 $0x0;
	[sflag:s26] =	ssyncadd.s32 $0xFFFFF000  }
0x11d: {  	[tilespmem:s22], [sflag:$0x1] =	stream.linear.gather [hbm4b:s12+s6], $0xC800, $0x38;
	v63 =	vld [tilespmem:$0x0]  }
0x11e: {  	_ = 	snop  }
0x11f: {  	[tilespmem:s25], [sflag:$0x2] =	stream.strided.gather [hbm4b:s13+s23], $0x1000, s24, s23, $0x38;
	v63 =	vld [tilespmem:$0x0]  }
0x120: {  	_ =	swait.ge [sflag:s26], $0x1000  }
0x121: {  	[sflag:s26] =	ssyncset.done $0x0  }
0x122: {  	[sflag:s26] =	ssyncadd.s32 $0xFFFFF000  }
0x123: {  	[tilespmem:s28], [sflag:$0x2] =	stream.strided.gather [hbm4b:s14+s23], $0x1000, s24, s23, $0x38;
	v63 =	vld [tilespmem:$0x0]  }
0x124: {  	_ =	swait.ge [sflag:s26], $0x1000  }
0x125: {  	[sflag:s26] =	ssyncset.done $0x0  }
0x126: {  	[sflag:s26] =	ssyncadd.s32 $0xFFFFF000  }
0x127: {  	[tilespmem:s29], [sflag:$0x2] =	stream.strided.gather [hbm4b:s15+s23], $0x1000, s24, s23, $0x38;
	v63 =	vld [tilespmem:$0x0]  }
0x128: {  	_ =	swait.ge [sflag:s26], $0x1000  }
0x129: {  	[sflag:s26] =	ssyncset.done $0x0  }
0x12a: {  	[sflag:s26] =	ssyncadd.s32 $0xFFFFF000  }
0x12b: {  	[tilespmem:s30], [sflag:$0x2] =	stream.strided.gather [hbm4b:s16+s23], $0x1000, s24, s23, $0x38;
	v63 =	vld [tilespmem:$0x0]  }
0x12c: {  	_ =	swait.ge [sflag:s26], $0x1000  }
0x12d: {  	[sflag:s26] =	ssyncset.done $0x0  }
0x12e: {  	[sflag:s26] =	ssyncadd.s32 $0xFFFFF000  }
0x12f: {  	[tilespmem:s6], [sflag:$0x2] =	stream.linear.gather [hbm4b:s17+s6], $0xE800, $0x38;
	v63 =	vld [tilespmem:$0x0]  }
0x130: {  	_ =	swait.ge [sflag:s26], $0xE800  }
0x131: {  	[sflag:s26] =	ssyncset.done $0x0  }
0x132: {  	s3 =	simm.s32 $0x0;
	[sflag:s26] =	ssyncadd.s32 $0xFFFF1800  }
0x133: {  	v0 =	vld [tilespmem:s3+$0x1B000];
	_ =	sdelay $0x4  }
0x134: {  	v1 =	vshrl.u32 v0, $0x8  }
0x135: {  	v0 =	vand.u32 $0xFF, v0;
	v2 =	vadd.s32 $0x62, v1  }
0x136: {  	v3 =	vadd.s32 $0x61, v0;
	v4 =	vadd.s32 $0x69, v0;
	v5 =	vadd.s32 $0x66, v1  }
0x137: {  	v6 =	vadd.s32 $0x5E, v1;
	v7 =	vadd.s32 $0x5D, v0;
	v0 =	vadd.s32 $0x6D, v0  }
0x138: {  	v1 =	vadd.s32 $0x6A, v1;
	v8 =	vand.u32 $0x7F, v3;
	v9 =	vshll.u32 v2, $0x7  }
0x139: {  	v10 =	vand.u32 $0x7F, v4;
	v11 =	vshll.u32 v5, $0x7;
	v12 =	vand.u32 $0x7F, v7  }
0x13a: {  	v13 =	vand.u32 $0x7F, v0;
	v2 =	vshll.u32 v2, $0x8;
	v3 =	vshll.u32 v3, $0x3  }
0x13b: {  	v4 =	vshll.u32 v4, $0x3;
	v5 =	vshll.u32 v5, $0x8;
	v14 =	vshll.u32 v6, $0x7  }
0x13c: {  	v15 =	vshll.u32 v1, $0x7;
	v6 =	vshll.u32 v6, $0x8;
	v7 =	vshll.u32 v7, $0x3  }
0x13d: {  	v0 =	vshll.u32 v0, $0x3;
	v1 =	vshll.u32 v1, $0x8;
	v9 =	vand.u32 $0x380, v9  }
0x13e: {  	v11 =	vand.u32 $0x380, v11;
	v2 =	vand.u32 $0xFFFFF800, v2;
	v3 =	vand.u32 $0xC00, v3  }
0x13f: {  	v4 =	vand.u32 $0xC00, v4;
	v5 =	vand.u32 $0xFFFFF800, v5;
	v14 =	vand.u32 $0x380, v14  }
0x140: {  	v6 =	vand.u32 $0xFFFFF800, v6;
	v7 =	vand.u32 $0xC00, v7;
	v15 =	vand.u32 $0x380, v15  }
0x141: {  	v0 =	vand.u32 $0xC00, v0;
	v1 =	vand.u32 $0xFFFFF800, v1;
	v16 =	vadd.s32 v4, v2  }
0x142: {  	v4 =	vadd.s32 v4, v5;
	v17 =	vadd.s32 v7, v6;
	v16 =	vor.u32 v9, v16  }
0x143: {  	s4 =	simm.s32 $0x10;
	v6 =	vadd.s32 v0, v6;
	v4 =	vor.u32 v11, v4;
	v16 =	vor.u32 v10, v16  }
0x144: {  	v0 =	vadd.s32 v0, v1;
	v6 =	vor.u32 v14, v6;
	v4 =	vor.u32 v10, v4;
	v10 =	vld [tilespmem:s4+$0x1B000]  }
0x145: {  	v1 =	vadd.s32 v7, v1;
	v0 =	vor.u32 v15, v0;
	v6 =	vor.u32 v13, v6  }
0x146: {  	v5 =	vadd.s32 v3, v5;
	v14 =	vor.u32 v14, v17;
	v0 =	vor.u32 v13, v0  }
0x147: {  	v2 =	vadd.s32 v3, v2;
	v1 =	vor.u32 v15, v1;
	v7 =	vor.u32 v12, v14  }
0x148: {  	v3 =	vor.u32 v11, v5;
	v2 =	vor.u32 v9, v2;
	v1 =	vor.u32 v12, v1;
	v16 =	vld.idx.msk [tilespmem:v16+s2+$0x0], $0xffff  }
0x149: {  	v5 =	vor.u32 v8, v3;
	v17 =	vld.idx.msk [tilespmem:v4+s2+$0x0], $0xffff;
	v3 =	vshrl.u32 v10, $0x8;
	v4 =	vand.u32 $0xFF, v10  }
0x14a: {  	v8 =	vor.u32 v8, v2;
	v6 =	vld.idx.msk [tilespmem:v6+s2+$0x0], $0xffff;
	v9 =	vadd.s32 $0x62, v3;
	v10 =	vadd.s32 $0x61, v4  }
0x14b: {  	v18 =	vld.idx.msk [tilespmem:v0+s2+$0x0], $0xffff;
	v11 =	vadd.s32 $0x69, v4;
	v14 =	vadd.s32 $0x66, v3;
	v19 =	vadd.s32 $0x5E, v3  }
0x14c: {  	v20 =	vld.idx.msk [tilespmem:v7+s2+$0x0], $0xffff;
	v21 =	vadd.s32 $0x5D, v4;
	v4 =	vadd.s32 $0x6D, v4;
	v22 =	vadd.s32 $0x6A, v3  }
0x14d: {  	v23 =	vld.idx.msk [tilespmem:v1+s2+$0x0], $0xffff;
	v0 =	vand.u32 $0x7F, v10;
	v24 =	vshll.u32 v9, $0x7;
	v3 =	vand.u32 $0x7F, v11  }
0x14e: {  	v25 =	vld.idx.msk [tilespmem:v5+s2+$0x0], $0xffff;
	v5 =	vshll.u32 v14, $0x7;
	v1 =	vand.u32 $0x7F, v21;
	v2 =	vand.u32 $0x7F, v4  }
0x14f: {  	v26 =	vld.idx.msk [tilespmem:v8+s2+$0x0], $0xffff;
	v27 =	vshll.u32 v9, $0x8;
	v12 =	vshll.u32 v10, $0x3;
	v13 =	vshll.u32 v11, $0x3  }
0x150: {  	v15 =	vshll.u32 v14, $0x8;
	v14 =	vshll.u32 v19, $0x7;
	v7 =	vshll.u32 v22, $0x7  }
0x151: {  	v10 =	vshll.u32 v19, $0x8;
	v11 =	vshll.u32 v21, $0x3;
	v17 =	vsub.f32 v17, v16;
	v16 =	vld [tilespmem:s3+$0x1E000]  }
0x152: {  	v8 =	vshll.u32 v4, $0x3;
	v19 =	vsub.f32 v18, v6;
	v20 =	vsub.f32 v23, v20  }
0x153: {  	v9 =	vshll.u32 v22, $0x8;
	v4 =	vand.u32 $0x380, v24;
	v5 =	vand.u32 $0x380, v5  }
0x154: {  	s5 =	simm.s32 $0x80;
	v6 =	vand.u32 $0xFFFFF800, v27;
	v18 =	vsub.f32 v25, v26;
	v19 =	vsub.f32 v19, v20  }
.LBB2_8:
0x155: {  	p0 =	sne.s32 s5, $0x3FC0;
	v12 =	vand.u32 $0xC00, v12;
	v13 =	vand.u32 $0xC00, v13;
	v15 =	vand.u32 $0xFFFFF800, v15  }
0x156: {  	v14 =	vand.u32 $0x380, v14;
	v17 =	vsub.f32 v17, v18;
	v16 =	vmul.f32 v19, v16  }
0x157: {  	v10 =	vand.u32 $0xFFFFF800, v10;
	v11 =	vand.u32 $0xC00, v11;
	v7 =	vand.u32 $0x380, v7  }
0x158: {  	v8 =	vand.u32 $0xC00, v8;
	v9 =	vand.u32 $0xFFFFF800, v9;
	v16 =	vadd.f32 v16, v17  }
0x159: {  	v18 =	vadd.s32 v11, v10;
	v17 =	vadd.s32 v13, v6;
	v13 =	vadd.s32 v13, v15  }
0x15a: {  	v10 =	vadd.s32 v8, v10;
	v17 =	vor.u32 v4, v17;
	v16 =	vmul.f32 $1.000000010e-01, v16  }
0x15b: {  	v8 =	vadd.s32 v8, v9;
	v13 =	vor.u32 v5, v13;
	v17 =	vor.u32 v3, v17  }
0x15c: {  	s6 =	sshra.s32 s5, $0x2;
	v10 =	vor.u32 v14, v10;
	v3 =	vor.u32 v3, v13;
	v13 =	vmax.f32 v16, $0.0e+00  }
0x15d: {  	v8 =	vor.u32 v7, v8;
	v10 =	vor.u32 v2, v10;
	v16 =	vld [tilespmem:s6+$0x1B000];
	v13 =	vmin.f32 v13, $1.000000000e+02  }
0x15e: {  	v9 =	vadd.s32 v11, v9;
	v14 =	vor.u32 v14, v18;
	v2 =	vor.u32 v2, v8;
	[tilespmem:s3+$0x1F000] =	vst v13;
	s3 =	smov.u32 s4;
	s4 =	smov.u32 s6  }
0x15f: {  	v7 =	vor.u32 v7, v9;
	v8 =	vadd.s32 v12, v15;
	v11 =	vor.u32 v1, v14  }
0x160: {  	v6 =	vadd.s32 v12, v6;
	v1 =	vor.u32 v1, v7;
	v5 =	vor.u32 v5, v8;
	v17 =	vld.idx.msk [tilespmem:v17+s2+$0x0], $0xffff  }
0x161: {  	v4 =	vor.u32 v4, v6;
	v5 =	vor.u32 v0, v5;
	v6 =	vld.idx.msk [tilespmem:v3+s2+$0x0], $0xffff  }
0x162: {  	v4 =	vor.u32 v0, v4;
	v3 =	vshrl.u32 v16, $0x8;
	v7 =	vand.u32 $0xFF, v16;
	v18 =	vld.idx.msk [tilespmem:v10+s2+$0x0], $0xffff  }
0x163: {  	v8 =	vadd.s32 $0x62, v3;
	v9 =	vadd.s32 $0x61, v7;
	v19 =	vld.idx.msk [tilespmem:v2+s2+$0x0], $0xffff  }
0x164: {  	v10 =	vadd.s32 $0x69, v7;
	v14 =	vadd.s32 $0x66, v3;
	v16 =	vadd.s32 $0x5E, v3;
	v20 =	vld.idx.msk [tilespmem:v11+s2+$0x0], $0xffff  }
0x165: {  	v21 =	vadd.s32 $0x6D, v7;
	v22 =	vadd.s32 $0x6A, v3;
	v11 =	vadd.s32 $0x5D, v7;
	v23 =	vld.idx.msk [tilespmem:v1+s2+$0x0], $0xffff  }
0x166: {  	v0 =	vand.u32 $0x7F, v9;
	v24 =	vshll.u32 v8, $0x7;
	v3 =	vand.u32 $0x7F, v10;
	v25 =	vld.idx.msk [tilespmem:v5+s2+$0x0], $0xffff  }
0x167: {  	v2 =	vand.u32 $0x7F, v21;
	v1 =	vand.u32 $0x7F, v11;
	v5 =	vshll.u32 v14, $0x7;
	v26 =	vld.idx.msk [tilespmem:v4+s2+$0x0], $0xffff  }
0x168: {  	v27 =	vshll.u32 v8, $0x8;
	v12 =	vshll.u32 v9, $0x3;
	v13 =	vshll.u32 v10, $0x3  }
.Ltmp3:
0x169: {  	v15 =	vshll.u32 v14, $0x8;
	v7 =	vshll.u32 v22, $0x7;
	v14 =	vshll.u32 v16, $0x7;
	(pc) =	sbr.rel @p0 .LBB2_8-.Ltmp3, $4  }
0x16a: {  	v10 =	vshll.u32 v16, $0x8;
	v8 =	vshll.u32 v21, $0x3;
	v11 =	vshll.u32 v11, $0x3;
	v16 =	vld [tilespmem:s3+$0x1E000]  }
0x16b: {  	v9 =	vshll.u32 v22, $0x8;
	v19 =	vsub.f32 v19, v18;
	v20 =	vsub.f32 v23, v20  }
0x16c: {  	v17 =	vsub.f32 v6, v17;
	v4 =	vand.u32 $0x380, v24;
	v5 =	vand.u32 $0x380, v5  }
0x16d: {  	s5 =	sadd.s32 $0x40, s5;
	v6 =	vand.u32 $0xFFFFF800, v27;
	v18 =	vsub.f32 v25, v26;
	v19 =	vsub.f32 v19, v20  }
0x16e: {  	v12 =	vand.u32 $0xC00, v12;
	v13 =	vand.u32 $0xC00, v13;
	v15 =	vand.u32 $0xFFFFF800, v15  }
0x16f: {  	v14 =	vand.u32 $0x380, v14;
	v10 =	vand.u32 $0xFFFFF800, v10;
	v11 =	vand.u32 $0xC00, v11  }
0x170: {  	v7 =	vand.u32 $0x380, v7;
	v17 =	vsub.f32 v17, v18;
	v16 =	vmul.f32 v19, v16  }
0x171: {  	v8 =	vand.u32 $0xC00, v8;
	v9 =	vand.u32 $0xFFFFF800, v9;
	v58 =	vadd.s32 v13, v6  }
0x172: {  	v13 =	vadd.s32 v13, v15;
	v59 =	vadd.s32 v11, v10;
	v16 =	vadd.f32 v16, v17  }
0x173: {  	v10 =	vadd.s32 v8, v10;
	v8 =	vadd.s32 v8, v9;
	v17 =	vor.u32 v4, v58  }
0x174: {  	v13 =	vor.u32 v5, v13;
	v17 =	vor.u32 v3, v17;
	v16 =	vmul.f32 $1.000000010e-01, v16  }
0x175: {  	v9 =	vadd.s32 v11, v9;
	v10 =	vor.u32 v14, v10;
	v3 =	vor.u32 v3, v13  }
0x176: {  	v8 =	vor.u32 v7, v8;
	v10 =	vor.u32 v2, v10;
	v60 =	vmax.f32 v16, $0.0e+00  }
0x177: {  	v14 =	vor.u32 v14, v59;
	v2 =	vor.u32 v2, v8;
	v13 =	vmin.f32 v60, $1.000000000e+02  }
0x178: {  	v7 =	vor.u32 v7, v9;
	v8 =	vadd.s32 v12, v15;
	v61 =	vor.u32 v1, v14;
	[tilespmem:s3+$0x1F000] =	vst v13  }
0x179: {  	v6 =	vadd.s32 v12, v6;
	v1 =	vor.u32 v1, v7;
	v5 =	vor.u32 v5, v8;
	v62 =	vld.idx.msk [tilespmem:v17+s2+$0x0], $0xffff  }
0x17a: {  	v4 =	vor.u32 v4, v6;
	v5 =	vor.u32 v0, v5;
	v3 =	vld.idx.msk [tilespmem:v3+s2+$0x0], $0xffff  }
0x17b: {  	v0 =	vor.u32 v0, v4;
	v4 =	vld.idx.msk [tilespmem:v10+s2+$0x0], $0xffff  }
0x17c: {  	v2 =	vld.idx.msk [tilespmem:v2+s2+$0x0], $0xffff  }
0x17d: {  	v6 =	vld.idx.msk [tilespmem:v61+s2+$0x0], $0xffff  }
0x17e: {  	v1 =	vld.idx.msk [tilespmem:v1+s2+$0x0], $0xffff  }
0x17f: {  	v5 =	vld.idx.msk [tilespmem:v5+s2+$0x0], $0xffff  }
0x180: {  	v0 =	vld.idx.msk [tilespmem:v0+s2+$0x0], $0xffff;
	_ =	sdelay $0x1  }
0x181: {  	v7 =	vld [tilespmem:s4+$0x1E000]  }
0x182: {  	v2 =	vsub.f32 v2, v4;
	v1 =	vsub.f32 v1, v6  }
0x183: {  	v3 =	vsub.f32 v3, v62  }
0x184: {  	v0 =	vsub.f32 v5, v0;
	v1 =	vsub.f32 v2, v1;
	_ =	sdelay $0x1  }
0x185: {  	v0 =	vsub.f32 v3, v0;
	v1 =	vmul.f32 v1, v7;
	_ =	sdelay $0x1  }
0x186: {  	v0 =	vadd.f32 v1, v0;
	_ =	sdelay $0x1  }
0x187: {  	v0 =	vmul.f32 $1.000000010e-01, v0;
	_ =	sdelay $0x1  }
0x188: {  	v0 =	vmax.f32 v0, $0.0e+00  }
0x189: {  	v0 =	vmin.f32 v0, $1.000000000e+02  }
0x18a: {  	s6 =	simm.s32 $0x0;
	[tilespmem:s4+$0x1F000] =	vst v0  }
0x18b: {  	[tilespmem:s6], [sflag:$0x2] =	stream.linear.gather [hbm4b:s18+s6], $0xE800, $0x38;
	v63 =	vld [tilespmem:$0x0]  }
0x18c: {  	_ =	swait.ge [sflag:s26], $0xE800  }
0x18d: {  	[sflag:s26] =	ssyncset.done $0x0  }
0x18e: {  	s3 =	simm.s32 $0x0;
	[sflag:s26] =	ssyncadd.s32 $0xFFFF1800  }
0x18f: {  	v0 =	vld [tilespmem:s3+$0x1C000];
	_ =	sdelay $0x4  }
0x190: {  	v1 =	vand.u32 $0xFF, v0;
	v0 =	vshrl.u32 v0, $0x8  }
0x191: {  	v2 =	vadd.s32 $0x61, v1;
	v3 =	vadd.s32 $0x62, v0;
	v1 =	vadd.s32 $0x69, v1  }
0x192: {  	v0 =	vadd.s32 $0x66, v0;
	v4 =	vand.u32 $0x7F, v2;
	v5 =	vshll.u32 v3, $0x7  }
0x193: {  	v6 =	vand.u32 $0x7F, v1;
	v7 =	vshll.u32 v0, $0x7;
	v3 =	vshll.u32 v3, $0x8  }
0x194: {  	v2 =	vshll.u32 v2, $0x3;
	v1 =	vshll.u32 v1, $0x3;
	v0 =	vshll.u32 v0, $0x8  }
0x195: {  	v5 =	vand.u32 $0x380, v5;
	v3 =	vand.u32 $0xFFFFF800, v3;
	v1 =	vand.u32 $0xC00, v1  }
0x196: {  	v7 =	vand.u32 $0x380, v7;
	v0 =	vand.u32 $0xFFFFF800, v0;
	v8 =	vadd.s32 v1, v3  }
0x197: {  	v2 =	vand.u32 $0xC00, v2;
	v1 =	vadd.s32 v1, v0;
	v8 =	vor.u32 v5, v8  }
0x198: {  	v0 =	vadd.s32 v2, v0;
	v1 =	vor.u32 v7, v1;
	v8 =	vor.u32 v6, v8  }
0x199: {  	s4 =	simm.s32 $0x10;
	v2 =	vadd.s32 v2, v3;
	v0 =	vor.u32 v7, v0;
	v1 =	vor.u32 v6, v1  }
0x19a: {  	v2 =	vor.u32 v5, v2;
	v5 =	vld [tilespmem:s4+$0x1C000];
	v3 =	vor.u32 v4, v0  }
0x19b: {  	v4 =	vor.u32 v4, v2;
	_ =	sdelay $0x1  }
0x19c: {  	v0 =	vld.idx.msk [tilespmem:v8+s2+$0x0], $0xffff  }
0x19d: {  	v1 =	vld.idx.msk [tilespmem:v1+s2+$0x0], $0xffff  }
0x19e: {  	v6 =	vshrl.u32 v5, $0x8;
	v7 =	vand.u32 $0xFF, v5;
	v2 =	vld.idx.msk [tilespmem:v3+s2+$0x0], $0xffff  }
0x19f: {  	s5 =	simm.s32 $0x80;
	v3 =	vld.idx.msk [tilespmem:v4+s2+$0x0], $0xffff;
	v5 =	vadd.s32 $0x62, v6;
	v4 =	vadd.s32 $0x61, v7  }
.LBB2_10:
0x1a0: {  	p0 =	sne.s32 s5, $0x3FC0;
	v8 =	vand.u32 $0x7F, v4;
	v7 =	vadd.s32 $0x69, v7;
	v6 =	vadd.s32 $0x66, v6  }
0x1a1: {  	v9 =	vshll.u32 v5, $0x7;
	v10 =	vand.u32 $0x7F, v7;
	v11 =	vshll.u32 v6, $0x7  }
0x1a2: {  	v5 =	vshll.u32 v5, $0x8;
	v4 =	vshll.u32 v4, $0x3;
	v7 =	vshll.u32 v7, $0x3  }
0x1a3: {  	v9 =	vand.u32 $0x380, v9;
	v6 =	vshll.u32 v6, $0x8;
	v11 =	vand.u32 $0x380, v11  }
0x1a4: {  	v5 =	vand.u32 $0xFFFFF800, v5;
	v0 =	vsub.f32 v1, v0;
	v1 =	vsub.f32 v2, v3  }
0x1a5: {  	v2 =	vand.u32 $0xC00, v4;
	v3 =	vand.u32 $0xC00, v7;
	v4 =	vand.u32 $0xFFFFF800, v6;
	v6 =	vld [tilespmem:s3+$0x1F000]  }
0x1a6: {  	v7 =	vadd.s32 v2, v5;
	v5 =	vadd.s32 v3, v5;
	v0 =	vsub.f32 v0, v1  }
0x1a7: {  	v2 =	vadd.s32 v2, v4;
	v3 =	vadd.s32 v3, v4;
	v1 =	vor.u32 v9, v5  }
0x1a8: {  	v3 =	vor.u32 v11, v3;
	v1 =	vor.u32 v10, v1;
	v0 =	vmax.f32 v0, $0.0e+00  }
0x1a9: {  	v2 =	vor.u32 v11, v2;
	v3 =	vor.u32 v10, v3;
	v0 =	vmin.f32 v0, $1.000000000e+02  }
0x1aa: {  	s6 =	sshra.s32 s5, $0x2;
	v4 =	vor.u32 v9, v7;
	v2 =	vor.u32 v8, v2;
	v0 =	vadd.f32 v0, v6  }
0x1ab: {  	v4 =	vor.u32 v8, v4;
	v5 =	vld [tilespmem:s6+$0x1C000]  }
0x1ac: {  	[tilespmem:s3+$0x1F000] =	vst v0;
	s3 =	smov.u32 s4;
	s4 =	smov.u32 s6  }
.Ltmp4:
0x1ad: {  	v0 =	vld.idx.msk [tilespmem:v1+s2+$0x0], $0xffff;
	(pc) =	sbr.rel @p0 .LBB2_10-.Ltmp4, $4  }
0x1ae: {  	v1 =	vld.idx.msk [tilespmem:v3+s2+$0x0], $0xffff  }
0x1af: {  	v2 =	vld.idx.msk [tilespmem:v2+s2+$0x0], $0xffff  }
0x1b0: {  	v6 =	vshrl.u32 v5, $0x8;
	v7 =	vand.u32 $0xFF, v5;
	v3 =	vld.idx.msk [tilespmem:v4+s2+$0x0], $0xffff  }
0x1b1: {  	s5 =	sadd.s32 $0x40, s5;
	v5 =	vadd.s32 $0x62, v6;
	v4 =	vadd.s32 $0x61, v7  }
0x1b2: {  	v8 =	vand.u32 $0x7F, v4;
	v7 =	vadd.s32 $0x69, v7;
	v6 =	vadd.s32 $0x66, v6  }
0x1b3: {  	v9 =	vshll.u32 v5, $0x7;
	v5 =	vshll.u32 v5, $0x8;
	v4 =	vshll.u32 v4, $0x3  }
0x1b4: {  	v10 =	vand.u32 $0x7F, v7;
	v11 =	vshll.u32 v6, $0x7;
	v7 =	vshll.u32 v7, $0x3  }
0x1b5: {  	v9 =	vand.u32 $0x380, v9;
	v6 =	vshll.u32 v6, $0x8;
	v5 =	vand.u32 $0xFFFFF800, v5  }
0x1b6: {  	v0 =	vsub.f32 v1, v0;
	v11 =	vand.u32 $0x380, v11;
	v1 =	vsub.f32 v2, v3  }
0x1b7: {  	v2 =	vand.u32 $0xC00, v4;
	v3 =	vand.u32 $0xC00, v7;
	v4 =	vand.u32 $0xFFFFF800, v6;
	v6 =	vld [tilespmem:s3+$0x1F000]  }
0x1b8: {  	v7 =	vadd.s32 v2, v5;
	v5 =	vadd.s32 v3, v5;
	v0 =	vsub.f32 v0, v1  }
0x1b9: {  	v2 =	vadd.s32 v2, v4;
	v3 =	vadd.s32 v3, v4;
	v1 =	vor.u32 v9, v5  }
0x1ba: {  	v3 =	vor.u32 v11, v3;
	v1 =	vor.u32 v10, v1;
	v0 =	vmax.f32 v0, $0.0e+00  }
0x1bb: {  	v2 =	vor.u32 v11, v2;
	v3 =	vor.u32 v10, v3;
	v0 =	vmin.f32 v0, $1.000000000e+02  }
0x1bc: {  	v4 =	vor.u32 v9, v7;
	v2 =	vor.u32 v8, v2;
	v0 =	vadd.f32 v0, v6  }
0x1bd: {  	v4 =	vor.u32 v8, v4  }
0x1be: {  	[tilespmem:s3+$0x1F000] =	vst v0  }
0x1bf: {  	v0 =	vld.idx.msk [tilespmem:v1+s2+$0x0], $0xffff  }
0x1c0: {  	v1 =	vld.idx.msk [tilespmem:v3+s2+$0x0], $0xffff  }
0x1c1: {  	v2 =	vld.idx.msk [tilespmem:v2+s2+$0x0], $0xffff  }
0x1c2: {  	v3 =	vld.idx.msk [tilespmem:v4+s2+$0x0], $0xffff;
	_ =	sdelay $0x4  }
0x1c3: {  	v0 =	vsub.f32 v1, v0;
	v1 =	vsub.f32 v2, v3  }
0x1c4: {  	v2 =	vld [tilespmem:s4+$0x1F000]  }
0x1c5: {  	v0 =	vsub.f32 v0, v1;
	_ =	sdelay $0x1  }
0x1c6: {  	v0 =	vmax.f32 v0, $0.0e+00  }
0x1c7: {  	v0 =	vmin.f32 v0, $1.000000000e+02  }
0x1c8: {  	v0 =	vadd.f32 v0, v2;
	_ =	sdelay $0x1  }
0x1c9: {  	s6 =	simm.s32 $0x0;
	[tilespmem:s4+$0x1F000] =	vst v0  }
0x1ca: {  	[tilespmem:s6], [sflag:$0x2] =	stream.linear.gather [hbm4b:s19+s6], $0xE800, $0x38;
	v63 =	vld [tilespmem:$0x0]  }
0x1cb: {  	_ =	swait.ge [sflag:s26], $0xE800  }
0x1cc: {  	[sflag:s26] =	ssyncset.done $0x0  }
0x1cd: {  	[sflag:s26] =	ssyncadd.s32 $0xFFFF1800  }
0x1ce: {  	_ =	swait.ge [sflag:s31], $0xC800  }
0x1cf: {  	[sflag:s31] =	ssyncset.done $0x0  }
0x1d0: {  	s3 =	simm.s32 $0x0;
	[sflag:s31] =	ssyncadd.s32 $0xFFFF3800  }
0x1d1: {  	v0 =	vld [tilespmem:s3+$0x1B000];
	_ =	sdelay $0x4  }
0x1d2: {  	v1 =	vshrl.u32 v0, $0x8;
	v0 =	vand.u32 $0xFF, v0  }
0x1d3: {  	v2 =	vadd.s32 $0x62, v1;
	v3 =	vadd.s32 $0x61, v0;
	v0 =	vadd.s32 $0x69, v0  }
0x1d4: {  	v1 =	vadd.s32 $0x66, v1;
	v4 =	vand.u32 $0x7F, v3;
	v5 =	vshll.u32 v2, $0x7  }
0x1d5: {  	v6 =	vand.u32 $0x7F, v0;
	v7 =	vshll.u32 v1, $0x7;
	v2 =	vshll.u32 v2, $0x8  }
0x1d6: {  	v3 =	vshll.u32 v3, $0x3;
	v0 =	vshll.u32 v0, $0x3;
	v1 =	vshll.u32 v1, $0x8  }
0x1d7: {  	v5 =	vand.u32 $0x380, v5;
	v2 =	vand.u32 $0xFFFFF800, v2;
	v0 =	vand.u32 $0xC00, v0  }
0x1d8: {  	v3 =	vand.u32 $0xC00, v3;
	v1 =	vand.u32 $0xFFFFF800, v1;
	v8 =	vadd.s32 v0, v2  }
0x1d9: {  	v9 =	vld [tilespmem:s3+$0x1D000];
	v7 =	vand.u32 $0x380, v7;
	v0 =	vadd.s32 v0, v1;
	v8 =	vor.u32 v5, v8  }
0x1da: {  	v1 =	vadd.s32 v3, v1;
	v0 =	vor.u32 v7, v0;
	v8 =	vor.u32 v6, v8  }
0x1db: {  	v2 =	vadd.s32 v3, v2;
	v1 =	vor.u32 v7, v1;
	v0 =	vor.u32 v6, v0  }
0x1dc: {  	v2 =	vor.u32 v5, v2;
	v1 =	vor.u32 v4, v1  }
0x1dd: {  	s4 =	simm.s32 $0x10;
	v11 =	vor.u32 v4, v2  }
0x1de: {  	v10 =	vld [tilespmem:s4+$0x1B000];
	v2 =	vshll.u32 v9, $0x3  }
0x1df: {  	v5 =	vand.u32 $0xFFFFF87F, v9;
	v4 =	vshrl.u32 v9, $0x1;
	v3 =	vand.u32 $0x400, v2;
	v2 =	vld.idx.msk [tilespmem:v8+s2+$0x0], $0xffff  }
0x1e0: {  	v4 =	vand.u32 $0x380, v4;
	v5 =	vor.u32 v3, v5;
	v3 =	vld.idx.msk [tilespmem:v0+s2+$0x0], $0xffff  }
0x1e1: {  	v5 =	vor.u32 v4, v5;
	v4 =	vld.idx.msk [tilespmem:v1+s2+$0x0], $0xffff  }
0x1e2: {  	v8 =	vld.idx.msk [tilespmem:v11+s2+$0x0], $0xffff  }
0x1e3: {  	v7 =	vshrl.u32 v10, $0x8  }
0x1e4: {  	v6 =	vadd.s32 $0x62, v7;
	v0 =	vand.u32 $0xFF, v10  }
0x1e5: {  	v7 =	vadd.s32 $0x66, v7;
	v9 =	vadd.s32 $0x61, v0;
	v10 =	vadd.s32 $0x69, v0  }
0x1e6: {  	s5 =	simm.s32 $0x80;
	v11 =	vshll.u32 v6, $0x7;
	v0 =	vand.u32 $0x7F, v9;
	v1 =	vand.u32 $0x7F, v10  }
.LBB2_12:
0x1e7: {  	p0 =	sne.s32 s5, $0x3FC0;
	v12 =	vshll.u32 v7, $0x7;
	v2 =	vsub.f32 v3, v2;
	v3 =	vsub.f32 v4, v8;
	v4 =	vld.idx.msk [tilespmem:v5+s22+$0x0], $0xffff  }
0x1e8: {  	v5 =	vshll.u32 v6, $0x8;
	v6 =	vshll.u32 v9, $0x3;
	v8 =	vshll.u32 v10, $0x3  }
0x1e9: {  	v9 =	vand.u32 $0x380, v11;
	v7 =	vshll.u32 v7, $0x8;
	v2 =	vsub.f32 v2, v3  }
0x1ea: {  	v3 =	vand.u32 $0xFFFFF800, v5;
	v5 =	vand.u32 $0xC00, v6;
	v6 =	vand.u32 $0x380, v12;
	v10 =	vld [tilespmem:s3+$0x1F000]  }
0x1eb: {  	v8 =	vand.u32 $0xC00, v8;
	v7 =	vand.u32 $0xFFFFF800, v7;
	v2 =	vmul.f32 $5.000000000e+00, v2  }
0x1ec: {  	v11 =	vadd.s32 v5, v3;
	v3 =	vadd.s32 v8, v3;
	v5 =	vadd.s32 v5, v7  }
0x1ed: {  	v7 =	vadd.s32 v8, v7;
	v4 =	vmul.f32 $1.000000000e+02, v4;
	v2 =	vmax.f32 v2, $0.0e+00  }
0x1ee: {  	v3 =	vor.u32 v9, v3;
	v7 =	vor.u32 v6, v7;
	v2 =	vmin.f32 v2, $1.000000000e+02  }
0x1ef: {  	v3 =	vor.u32 v1, v3;
	v4 =	vmax.f32 v4, $0.0e+00;
	v2 =	vadd.f32 v2, v10  }
0x1f0: {  	v5 =	vor.u32 v6, v5;
	v1 =	vor.u32 v1, v7;
	v4 =	vmin.f32 v4, $1.000000000e+02;
	v6 =	vld [tilespmem:s4+$0x1D000]  }
0x1f1: {  	v7 =	vor.u32 v9, v11;
	v5 =	vor.u32 v0, v5;
	v2 =	vadd.f32 v2, v4  }
0x1f2: {  	s6 =	sshra.s32 s5, $0x2;
	v0 =	vor.u32 v0, v7  }
0x1f3: {  	v7 =	vld [tilespmem:s6+$0x1B000];
	[tilespmem:s3+$0x1F000] =	vst v2;
	s3 =	smov.u32 s4;
	s4 =	smov.u32 s6  }
0x1f4: {  	v2 =	vld.idx.msk [tilespmem:v3+s2+$0x0], $0xffff  }
0x1f5: {  	v3 =	vld.idx.msk [tilespmem:v1+s2+$0x0], $0xffff;
	v1 =	vshll.u32 v6, $0x3  }
0x1f6: {  	v4 =	vld.idx.msk [tilespmem:v5+s2+$0x0], $0xffff;
	v1 =	vand.u32 $0x400, v1;
	v5 =	vshrl.u32 v6, $0x1;
	v6 =	vand.u32 $0xFFFFF87F, v6  }
0x1f7: {  	v8 =	vld.idx.msk [tilespmem:v0+s2+$0x0], $0xffff;
	v0 =	vand.u32 $0x380, v5;
	v1 =	vor.u32 v1, v6  }
.Ltmp5:
0x1f8: {  	v5 =	vor.u32 v0, v1;
	(pc) =	sbr.rel @p0 .LBB2_12-.Ltmp5, $4  }
0x1f9: {  	v0 =	vshrl.u32 v7, $0x8  }
0x1fa: {  	v1 =	vand.u32 $0xFF, v7;
	v6 =	vadd.s32 $0x62, v0  }
0x1fb: {  	v9 =	vadd.s32 $0x61, v1;
	v10 =	vadd.s32 $0x69, v1;
	v7 =	vadd.s32 $0x66, v0  }
0x1fc: {  	s5 =	sadd.s32 $0x40, s5;
	v0 =	vand.u32 $0x7F, v9;
	v11 =	vshll.u32 v6, $0x7;
	v1 =	vand.u32 $0x7F, v10  }
0x1fd: {  	_ =	sdelay $0x2  }
0x1fe: {  	v12 =	vshll.u32 v7, $0x7;
	v2 =	vsub.f32 v3, v2;
	v41 =	vsub.f32 v4, v8  }
0x1ff: {  	v42 =	vld.idx.msk [tilespmem:v5+s22+$0x0], $0xffff;
	v43 =	vshll.u32 v6, $0x8;
	v44 =	vshll.u32 v9, $0x3;
	v45 =	vshll.u32 v10, $0x3  }
0x200: {  	v46 =	vand.u32 $0x380, v11;
	v47 =	vshll.u32 v7, $0x8;
	v2 =	vsub.f32 v2, v41  }
0x201: {  	v51 =	vld [tilespmem:s3+$0x1F000];
	v48 =	vand.u32 $0xFFFFF800, v43;
	v49 =	vand.u32 $0xC00, v44;
	v50 =	vand.u32 $0x380, v12  }
0x202: {  	v8 =	vand.u32 $0xC00, v45;
	v7 =	vand.u32 $0xFFFFF800, v47;
	v2 =	vmul.f32 $5.000000000e+00, v2  }
0x203: {  	v52 =	vadd.s32 v49, v48;
	v3 =	vadd.s32 v8, v48;
	v5 =	vadd.s32 v49, v7  }
0x204: {  	v7 =	vadd.s32 v8, v7;
	v4 =	vmul.f32 $1.000000000e+02, v42;
	v2 =	vmax.f32 v2, $0.0e+00  }
0x205: {  	v3 =	vor.u32 v46, v3;
	v7 =	vor.u32 v50, v7;
	v2 =	vmin.f32 v2, $1.000000000e+02  }
0x206: {  	v3 =	vor.u32 v1, v3;
	v4 =	vmax.f32 v4, $0.0e+00;
	v2 =	vadd.f32 v2, v51  }
0x207: {  	v54 =	vld [tilespmem:s4+$0x1D000];
	v5 =	vor.u32 v50, v5;
	v53 =	vor.u32 v1, v7;
	v4 =	vmin.f32 v4, $1.000000000e+02  }
0x208: {  	v55 =	vor.u32 v46, v52;
	v5 =	vor.u32 v0, v5;
	v2 =	vadd.f32 v2, v4  }
0x209: {  	v56 =	vor.u32 v0, v55  }
0x20a: {  	[tilespmem:s3+$0x1F000] =	vst v2  }
0x20b: {  	v2 =	vld.idx.msk [tilespmem:v3+s2+$0x0], $0xffff  }
0x20c: {  	v57 =	vshll.u32 v54, $0x3;
	v1 =	vld.idx.msk [tilespmem:v53+s2+$0x0], $0xffff  }
0x20d: {  	v59 =	vshrl.u32 v54, $0x1;
	v6 =	vand.u32 $0xFFFFF87F, v54;
	v58 =	vld.idx.msk [tilespmem:v5+s2+$0x0], $0xffff;
	v3 =	vand.u32 $0x400, v57  }
0x20e: {  	v0 =	vld.idx.msk [tilespmem:v56+s2+$0x0], $0xffff;
	v5 =	vand.u32 $0x380, v59;
	v3 =	vor.u32 v3, v6  }
0x20f: {  	v3 =	vor.u32 v5, v3;
	_ =	sdelay $0x3  }
0x210: {  	v1 =	vsub.f32 v1, v2;
	v0 =	vsub.f32 v58, v0  }
0x211: {  	v60 =	vld.idx.msk [tilespmem:v3+s22+$0x0], $0xffff  }
0x212: {  	v0 =	vsub.f32 v1, v0  }
0x213: {  	v61 =	vld [tilespmem:s4+$0x1F000]  }
0x214: {  	v0 =	vmul.f32 $5.000000000e+00, v0;
	_ =	sdelay $0x1  }
0x215: {  	v0 =	vmax.f32 v0, $0.0e+00;
	v2 =	vmul.f32 $1.000000000e+02, v60  }
0x216: {  	v0 =	vmin.f32 v0, $1.000000000e+02  }
0x217: {  	v0 =	vadd.f32 v0, v61;
	v62 =	vmax.f32 v2, $0.0e+00  }
0x218: {  	v1 =	vmin.f32 v62, $1.000000000e+02  }
0x219: {  	s1 =	sadd.s32 $0x1, s1;
	v0 =	vadd.f32 v0, v1  }
0x21a: {  	p0 =	sne.s32 s1, s21  }
.Ltmp6:
0x21b: {  	[tilespmem:s4+$0x1F000] =	vst v0;
	(pc) =	sbr.rel @p0 .LBB2_1-.Ltmp6, $4  }
0x21c: {  	[hbm4b:s20+s23] =	stream.strided.scatter [tilespmem:s0], [sflag:$0x2], $0x1000, s24, s23, $0x38;
	v63 =	vld [tilespmem:$0x0]  }
0x21d: {  	_ =	swait.ge [sflag:s26], $0x1000  }
0x21e: {  	[sflag:s26] =	ssyncset.done $0x0  }
0x21f: {  	[sflag:s26] =	ssyncadd.s32 $0xFFFFF000  }
0x220: {  	_ =	sfence.sel $0x180000  }
0x221: {  	[bflag:$0x0] =	sbarrier.arrive $0xFFFF  }
0x222: {  	_ =	strace $0x90000047  }
0x223: {  	s0 =	stileid.u32;
	[bflag:$0x2] =	sbarrier.arrive $0xFFFF  }
0x224: {  	p0 =	sne.s32 s0, $0x0;
	s0 =	rddreg [dreg:$0x3]  }
0x225: {  	s0 =	sadd.s32 @!p0 $0x100000, s0  }
0x226: {  	[sflag:s0] =	ssyncadd.tile.s32 @!p0 $0x1;
	_ =	shalt  }
.Lfunc_end2:
_tile_overlayer_lowered:
.L_overlay_start_2:
0x227: {  	(tag) =	ssettag $0x2  }
0x228: {  	s0 =	rddreg [dreg:$0x0];
	s2 =	stileid.u32  }
0x229: {  	s1 =	rddreg [dreg:$0x1];
	p0 =	sne.s32 s2, $0x0  }
0x22a: {  	s3 =	rddreg [dreg:$0x2];
	[bflag:$0x3] =	sbarrier.arrive $0xFFFF;
	s2 =	simm.s32 @!p0 $0x1C02  }
0x22b: {  	[timem:s3], [sflag:s2] =	dma.local @!p0 [hbm:s0], s1  }
0x22c: {  	s0 =	simm.s32 @!p0 $0x2  }
0x22d: {  	_ =	swait.ge @!p0 [sflag:s0], s1  }
0x22e: {  	s1 =	ssub.s32 @!p0 $0x0, s1;
	[sflag:s0] =	ssyncset.done @!p0 $0x0  }
0x22f: {  	[sflag:s0] =	ssyncadd.s32 @!p0 s1  }
0x230: {  	[bflag:$0x3] =	sbarrier.arrive $0xFFFF  }
0x231: {  	_ =	shalt  }

</sc_bundles>
